<compile_context>
chip_gen: v7x
topology: tpu7x:2x2x1
jax: 0.10.2.dev20260603
libtpu: 0.0.44.dev20260713+nightly
codegen_flags: <defaults>
</compile_context>

<pallas_src>
import functools

import jax
import jax.numpy as jnp
from jax import lax
from jax.experimental import pallas as pl
from jax.experimental.pallas import tpu as pltpu
from jax.experimental.pallas import tpu_sc as plsc

N = 10000
E = 320000
H = 128
G = 64
OUT = 128

NC = 2
NS = 16
NW = NC * NS
CHUNK = 128
CH = 80
E_PAD = NW * CH * CHUNK
N_PAD = 10112
ROWS_PW = N_PAD // NS

_mesh = plsc.VectorSubcoreMesh(core_axis_name="c", subcore_axis_name="s")


@functools.partial(
    pl.kernel,
    mesh=_mesh,
    out_type=jax.ShapeDtypeStruct((NC, N_PAD, 16), jnp.float32),
    scratch_types=[
        pltpu.VMEM((CH, CHUNK), jnp.int32),
        pltpu.VMEM((CHUNK, 16), jnp.float32),
        pltpu.VMEM_SHARED((N_PAD, 16), jnp.float32),
    ],
)
def _deg_sc(dst_hbm, zero_hbm, out_hbm, dst_v, ones_v, acc_sh):
    c = lax.axis_index("c")
    s = lax.axis_index("s")
    wid = s * NC + c

    @pl.loop(0, CHUNK)
    def _(r):
        ones_v[r, :] = jnp.full((16,), 1.0, jnp.float32)

    pltpu.sync_copy(zero_hbm.at[pl.ds(s * ROWS_PW, ROWS_PW)],
                    acc_sh.at[pl.ds(s * ROWS_PW, ROWS_PW)])
    pltpu.sync_copy(dst_hbm.at[wid], dst_v)
    plsc.subcore_barrier()

    @pl.loop(0, CH)
    def _(j):
        pltpu.sync_copy(ones_v, acc_sh.at[dst_v.at[j]], add=True)

    plsc.subcore_barrier()
    pltpu.sync_copy(acc_sh.at[pl.ds(s * ROWS_PW, ROWS_PW)],
                    out_hbm.at[c, pl.ds(s * ROWS_PW, ROWS_PW)])


@functools.partial(
    pl.kernel,
    mesh=_mesh,
    out_type=jax.ShapeDtypeStruct((NC, N_PAD, H), jnp.float32),
    scratch_types=[
        pltpu.VMEM((CH, CHUNK), jnp.int32),
        pltpu.VMEM((CH, CHUNK), jnp.int32),
        pltpu.VMEM((CHUNK, H), jnp.float32),
        pltpu.VMEM_SHARED((N_PAD, H), jnp.float32),
        pltpu.SemaphoreType.DMA,
    ],
)
def _prop_sc(hp_hbm, src_hbm, dst_hbm, zero_hbm, out_hbm,
             src_v, dst_v, rows_v, acc_sh, sem):
    c = lax.axis_index("c")
    s = lax.axis_index("s")
    wid = s * NC + c

    pltpu.sync_copy(zero_hbm.at[pl.ds(s * ROWS_PW, ROWS_PW)],
                    acc_sh.at[pl.ds(s * ROWS_PW, ROWS_PW)])
    pltpu.sync_copy(src_hbm.at[wid], src_v)
    pltpu.sync_copy(dst_hbm.at[wid], dst_v)
    plsc.subcore_barrier()

    @pl.loop(0, CH)
    def _(j):
        pltpu.async_copy(hp_hbm.at[src_v.at[j]], rows_v, sem).wait()
        pltpu.sync_copy(rows_v, acc_sh.at[dst_v.at[j]], add=True)

    plsc.subcore_barrier()
    pltpu.sync_copy(acc_sh.at[pl.ds(s * ROWS_PW, ROWS_PW)],
                    out_hbm.at[c, pl.ds(s * ROWS_PW, ROWS_PW)])


def _pre_body(x_ref, w_ref, deg_ref, hp_ref, dis_ref):
    deg = deg_ref[0, 0:N, 0:1] + deg_ref[1, 0:N, 0:1] + 1.0
    dis = lax.rsqrt(deg)
    dis_ref[...] = dis
    h = jnp.dot(x_ref[...], w_ref[...], preferred_element_type=jnp.float32)
    hp_ref[...] = h * dis


def _pre_tc(x, w, deg):
    return pl.pallas_call(
        _pre_body,
        out_shape=(jax.ShapeDtypeStruct((N, H), jnp.float32),
                   jax.ShapeDtypeStruct((N, 1), jnp.float32)),
    )(x, w, deg)


def _mid_body(a_ref, hp_ref, dis_ref, b_ref, w_ref, out_ref):
    dis = dis_ref[...]
    a = a_ref[0, 0:N, :] + a_ref[1, 0:N, :] + hp_ref[...]
    g = a * dis + b_ref[...]
    r = jnp.maximum(g, 0.0)
    out_ref[...] = jnp.dot(
        r, w_ref[...], preferred_element_type=jnp.float32) * dis


def _mid_tc(a, hp, dis, b, w):
    return pl.pallas_call(
        _mid_body,
        out_shape=jax.ShapeDtypeStruct((N, H), jnp.float32),
    )(a, hp, dis, b, w)


def _fin_body(a_ref, hp_ref, dis_ref, b_ref, batch_ref, wfc_ref, bfc_ref,
              out_ref):
    h3 = (a_ref[0, 0:N, :] + a_ref[1, 0:N, :] + hp_ref[...]) * dis_ref[...] \
        + b_ref[...]
    grp = lax.broadcasted_iota(jnp.int32, (G, N), 0)
    onehot = (batch_ref[...] == grp).astype(jnp.float32)
    sums = jnp.dot(onehot, h3, preferred_element_type=jnp.float32)
    cnt = jnp.sum(onehot, axis=1, keepdims=True)
    pooled = sums / jnp.maximum(cnt, 1.0)
    out_ref[...] = jnp.dot(
        pooled, wfc_ref[...], preferred_element_type=jnp.float32) + bfc_ref[...]


def _fin_tc(a, hp, dis, b, batch2d, wfc, bfc):
    return pl.pallas_call(
        _fin_body,
        out_shape=jax.ShapeDtypeStruct((G, OUT), jnp.float32),
    )(a, hp, dis, b, batch2d, wfc, bfc)


def kernel(x, edge_index, batch, W1, b1, W2, b2, W3, b3, Wfc, bfc):
    src = edge_index[0]
    dst = edge_index[1]
    pad = E_PAD - E
    ppw = pad // NW
    rpw = E // NW
    pad_src = jnp.zeros((NW, ppw), jnp.int32)
    pad_dst = jnp.broadcast_to(
        N + jnp.arange(ppw, dtype=jnp.int32) % (N_PAD - N), (NW, ppw))
    src3 = jnp.concatenate(
        [src.reshape(NW, rpw), pad_src], axis=1).reshape(NW, CH, CHUNK)
    dst3 = jnp.concatenate(
        [dst.reshape(NW, rpw), pad_dst], axis=1).reshape(NW, CH, CHUNK)
    zeros_h = jnp.zeros((N_PAD, H), jnp.float32)
    zeros_d = jnp.zeros((N_PAD, 16), jnp.float32)

    deg = _deg_sc(dst3, zeros_d)
    hp1, dis = _pre_tc(x, W1, deg)
    a1 = _prop_sc(hp1, src3, dst3, zeros_h)
    hp2 = _mid_tc(a1, hp1, dis, b1.reshape(1, H), W2)
    a2 = _prop_sc(hp2, src3, dst3, zeros_h)
    hp3 = _mid_tc(a2, hp2, dis, b2.reshape(1, H), W3)
    a3 = _prop_sc(hp3, src3, dst3, zeros_h)
    return _fin_tc(a3, hp3, dis, b3.reshape(1, H), batch.reshape(1, N),
                   Wfc, bfc.reshape(1, OUT))

# --- scband reference (transcript-rebuilt; emitter-appended) ---
"""Pipeline reference for scband-simple-gcn-40690520162818 (READ-ONLY COPY).

The authoritative reference and input builder live on the scoring server;
editing this copy changes nothing except your own understanding.
"""

import jax, jax.numpy as jnp
import numpy as np

N = 10000
E = 320000
D_IN = 128
H = 128
OUT = 128
G = 64


def _glorot(k, fan_in, fan_out):
    lim = np.sqrt(6.0 / (fan_in + fan_out))
    return jax.random.uniform(k, (fan_in, fan_out), jnp.float32, -lim, lim)


def setup_inputs(seed: int = 0) -> dict:
    key = jax.random.key(seed)
    ks = jax.random.split(key, 8)
    x = jax.random.normal(ks[0], (N, D_IN), dtype=jnp.float32)
    edge_index = jax.random.randint(ks[1], (2, E), 0, N, dtype=jnp.int32)
    batch = jnp.sort(jax.random.randint(ks[2], (N,), 0, G, dtype=jnp.int32))
    W1 = _glorot(ks[3], D_IN, H)
    b1 = jnp.zeros((H,), jnp.float32)
    W2 = _glorot(ks[4], H, H)
    b2 = jnp.zeros((H,), jnp.float32)
    W3 = _glorot(ks[5], H, H)
    b3 = jnp.zeros((H,), jnp.float32)
    Wfc = _glorot(ks[6], H, OUT)
    bfc = jnp.zeros((OUT,), jnp.float32)
    return {"x": x, "edge_index": edge_index, "batch": batch,
            "W1": W1, "b1": b1, "W2": W2, "b2": b2, "W3": W3, "b3": b3,
            "Wfc": Wfc, "bfc": bfc}


def _gcn_conv(x, src, dst, W, b):
    # PyG GCNConv defaults: add self-loops + symmetric normalization + bias
    num_nodes = x.shape[0]
    loop = jnp.arange(num_nodes, dtype=src.dtype)
    s = jnp.concatenate([src, loop])
    d = jnp.concatenate([dst, loop])
    deg = jnp.zeros((num_nodes,), x.dtype).at[d].add(1.0)
    dis = jnp.where(deg > 0, jax.lax.rsqrt(jnp.maximum(deg, 1e-12)), 0.0)
    norm = dis[s] * dis[d]
    h = x @ W
    out = jnp.zeros((num_nodes, h.shape[1]), h.dtype).at[d].add(h[s] * norm[:, None])
    return out + b


def reference(x, edge_index, batch, W1, b1, W2, b2, W3, b3, Wfc, bfc):
    src, dst = edge_index[0], edge_index[1]
    h = jax.nn.relu(_gcn_conv(x, src, dst, W1, b1))
    h = jax.nn.relu(_gcn_conv(h, src, dst, W2, b2))
    h = _gcn_conv(h, src, dst, W3, b3)
    # global_mean_pool (dropout p=0.0 is identity in eval)
    sums = jax.ops.segment_sum(h, batch, num_segments=G)
    cnt = jax.ops.segment_sum(jnp.ones((h.shape[0],), h.dtype), batch, num_segments=G)
    pooled = sums / jnp.maximum(cnt, 1.0)[:, None]
    return pooled @ Wfc + bfc

if __name__ == "__main__":
    import jax
    _d = setup_inputs()
    print(jax.jit(kernel)(*tuple(_d.values())))

</pallas_src>

<mosaic_0001>
#map = affine_map<(d0, d1) -> (0, 0, 0)>
#map1 = affine_map<(d0, d1) -> (0, 0)>
module attributes {stable_mosaic.version = 14 : i64} {
  func.func @_deg_sc(%arg0: i32, %arg1: i32, %arg2: memref<32x80x128xi32, #tpu.memory_space<hbm>>, %arg3: memref<10112x16xf32, #tpu.memory_space<hbm>>, %arg4: memref<2x10112x16xf32, #tpu.memory_space<hbm>>, %arg5: memref<80x128xi32, #tpu.memory_space<vmem>>, %arg6: memref<128x16xf32, #tpu.memory_space<vmem>>, %arg7: memref<10112x16xf32, #tpu.memory_space<vmem_shared>>) attributes {dimension_semantics = [#tpu.dimension_semantics<core_parallel>, #tpu.dimension_semantics<subcore_parallel>], iteration_bounds = array<i64: 2, 16>, scalar_prefetch = 0 : i64, scratch_operands = 3 : i64, tpu.core_type = #tpu.core_type<sc_vector_subcore>, window_params = [{transform_indices = #map}, {transform_indices = #map1}, {transform_indices = #map}]} {
    %mul3A = arith.constant 2 : i32
    %mul3A_0 = arith.muli %arg1, %mul3A : i32
    %add3A = arith.addi %mul3A_0, %arg0 : i32
    %scan3A = arith.constant 0 : i32
    %scan3A_1 = arith.constant 128 : i32
    %scan3A_2 = arith.addi %scan3A, %scan3A_1 : i32
    %scan3A_3 = arith.constant 1 : i32
    scf.for %scan3A_19 = %scan3A to %scan3A_2 step %scan3A_3  : i32 {
      %mul3A_20 = arith.constant 1 : i32
      %mul3A_21 = arith.muli %scan3A_19, %mul3A_20 : i32
      %add3A_22 = arith.constant 0 : i32
      %add3A_23 = arith.addi %add3A_22, %mul3A_21 : i32
      %broadcast_in_dim3A = arith.constant 1.000000e+00 : f32
      %broadcast_in_dim3A_24 = vector.broadcast %broadcast_in_dim3A : f32 to vector<16xf32>
      %swap3A = arith.index_cast %add3A_23 : i32 to index
      %swap3A_25 = arith.constant 0 : index
      %swap3A_26 = tpu.vector_load %arg6[%swap3A, %swap3A_25] {strides = array<i32>} : memref<128x16xf32, #tpu.memory_space<vmem>>, vector<1x16xf32>,
      %swap3A_27 = vector.shape_cast %swap3A_26 : vector<1x16xf32> to vector<16xf32>
      %swap3A_28 = vector.shape_cast %broadcast_in_dim3A_24 : vector<16xf32> to vector<1x16xf32>
      tpu.vector_store %arg6[%swap3A, %swap3A_25], %swap3A_28 {strides = array<i32>} : memref<128x16xf32, #tpu.memory_space<vmem>>, vector<1x16xf32>,
    }
    %scan3A_4 = arith.constant 128 : i32
    %mul3A_5 = arith.constant 632 : i32
    %mul3A_6 = arith.muli %arg1, %mul3A_5 : i32
    %mul3A_7 = arith.constant 632 : i32
    %mul3A_8 = arith.muli %arg1, %mul3A_7 : i32
    "tpu.region"() ({
      %run_scoped3A = tpu.sem_alloc : memref<!tpu.dma_semaphore, #tpu.memory_space<semaphore_mem>>
      %dma_start3A = arith.constant 0 : i32
      %dma_start3A_19 = tpu.memref_slice %arg7[%mul3A_8, %dma_start3A] : memref<10112x16xf32, #tpu.memory_space<vmem_shared>> -> memref<632x16xf32, #tpu.memory_space<vmem_shared>>
      %dma_start3A_20 = arith.constant 0 : i32
      %dma_start3A_21 = tpu.memref_slice %arg3[%mul3A_6, %dma_start3A_20] : memref<10112x16xf32, #tpu.memory_space<hbm>> -> memref<632x16xf32, #tpu.memory_space<hbm>>
      tpu.enqueue_dma source(%dma_start3A_21 : memref<632x16xf32, #tpu.memory_space<hbm>>) target(%dma_start3A_19 : memref<632x16xf32, #tpu.memory_space<vmem_shared>>) target_semaphore(%run_scoped3A : memref<!tpu.dma_semaphore, #tpu.memory_space<semaphore_mem>>)
      %dma_wait3A = arith.constant 0 : i32
      %dma_wait3A_22 = tpu.memref_slice %arg7[%mul3A_8, %dma_wait3A] : memref<10112x16xf32, #tpu.memory_space<vmem_shared>> -> memref<632x16xf32, #tpu.memory_space<vmem_shared>>
      %dma_wait3A_23 = arith.constant 0 : i32
      %dma_wait3A_24 = tpu.memref_slice %arg3[%mul3A_6, %dma_wait3A_23] : memref<10112x16xf32, #tpu.memory_space<hbm>> -> memref<632x16xf32, #tpu.memory_space<hbm>>
      tpu.wait_dma2 semaphore(%run_scoped3A : memref<!tpu.dma_semaphore, #tpu.memory_space<semaphore_mem>>) src(%dma_wait3A_24 : memref<632x16xf32, #tpu.memory_space<hbm>>) dst(%dma_wait3A_22 : memref<632x16xf32, #tpu.memory_space<vmem_shared>>)
      tpu.yield
    }) : () -> ()
    "tpu.region"() ({
      %run_scoped3A = tpu.sem_alloc : memref<!tpu.dma_semaphore, #tpu.memory_space<semaphore_mem>>
      %dma_start3A = arith.constant 0 : i32
      %dma_start3A_19 = arith.constant 0 : i32
      %dma_start3A_20 = tpu.memref_slice %arg2[%add3A, %dma_start3A, %dma_start3A_19] : memref<32x80x128xi32, #tpu.memory_space<hbm>> -> memref<1x80x128xi32, #tpu.memory_space<hbm>>
      %dma_start3A_21 = tpu.memref_squeeze %dma_start3A_20 : memref<1x80x128xi32, #tpu.memory_space<hbm>> -> memref<80x128xi32, #tpu.memory_space<hbm>>
      %dma_start3A_22 = arith.constant 0 : i32
      %dma_start3A_23 = arith.constant 0 : i32
      %dma_start3A_24 = tpu.memref_slice %arg2[%add3A, %dma_start3A_22, %dma_start3A_23] : memref<32x80x128xi32, #tpu.memory_space<hbm>> -> memref<1x80x128xi32, #tpu.memory_space<hbm>>
      %dma_start3A_25 = tpu.memref_squeeze %dma_start3A_24 : memref<1x80x128xi32, #tpu.memory_space<hbm>> -> memref<80x128xi32, #tpu.memory_space<hbm>>
      tpu.enqueue_dma source(%dma_start3A_25 : memref<80x128xi32, #tpu.memory_space<hbm>>) target(%arg5 : memref<80x128xi32, #tpu.memory_space<vmem>>) target_semaphore(%run_scoped3A : memref<!tpu.dma_semaphore, #tpu.memory_space<semaphore_mem>>)
      %dma_wait3A = arith.constant 0 : i32
      %dma_wait3A_26 = arith.constant 0 : i32
      %dma_wait3A_27 = tpu.memref_slice %arg2[%add3A, %dma_wait3A, %dma_wait3A_26] : memref<32x80x128xi32, #tpu.memory_space<hbm>> -> memref<1x80x128xi32, #tpu.memory_space<hbm>>
      %dma_wait3A_28 = tpu.memref_squeeze %dma_wait3A_27 : memref<1x80x128xi32, #tpu.memory_space<hbm>> -> memref<80x128xi32, #tpu.memory_space<hbm>>
      %dma_wait3A_29 = arith.constant 0 : i32
      %dma_wait3A_30 = arith.constant 0 : i32
      %dma_wait3A_31 = tpu.memref_slice %arg2[%add3A, %dma_wait3A_29, %dma_wait3A_30] : memref<32x80x128xi32, #tpu.memory_space<hbm>> -> memref<1x80x128xi32, #tpu.memory_space<hbm>>
      %dma_wait3A_32 = tpu.memref_squeeze %dma_wait3A_31 : memref<1x80x128xi32, #tpu.memory_space<hbm>> -> memref<80x128xi32, #tpu.memory_space<hbm>>
      tpu.wait_dma2 semaphore(%run_scoped3A : memref<!tpu.dma_semaphore, #tpu.memory_space<semaphore_mem>>) src(%dma_wait3A_32 : memref<80x128xi32, #tpu.memory_space<hbm>>) dst(%arg5 : memref<80x128xi32, #tpu.memory_space<vmem>>)
      tpu.yield
    }) : () -> ()
    %barrier3A = arith.constant 0 : index
    tpu.barrier barrier_id(%barrier3A)
    %scan3A_9 = arith.constant 0 : i32
    %scan3A_10 = arith.constant 80 : i32
    %scan3A_11 = arith.addi %scan3A_9, %scan3A_10 : i32
    %scan3A_12 = arith.constant 1 : i32
    scf.for %scan3A_19 = %scan3A_9 to %scan3A_11 step %scan3A_12  : i32 {
      %mul3A_20 = arith.constant 1 : i32
      %mul3A_21 = arith.muli %scan3A_19, %mul3A_20 : i32
      %add3A_22 = arith.constant 0 : i32
      %add3A_23 = arith.addi %add3A_22, %mul3A_21 : i32
      "tpu.region"() ({
        %run_scoped3A = tpu.sem_alloc : memref<!tpu.dma_semaphore, #tpu.memory_space<semaphore_mem>>
        %dma_start3A = arith.constant 0 : i32
        %dma_start3A_24 = tpu.memref_slice %arg5[%add3A_23, %dma_start3A] : memref<80x128xi32, #tpu.memory_space<vmem>> -> memref<1x128xi32, #tpu.memory_space<vmem>>
        %dma_start3A_25 = tpu.memref_squeeze %dma_start3A_24 : memref<1x128xi32, #tpu.memory_space<vmem>> -> memref<128xi32, #tpu.memory_space<vmem>>
        %dma_start3A_26 = arith.constant 0 : i32
        %dma_start3A_27 = arith.constant 0 : i32
        %dma_start3A_28 = tpu.memref_slice %arg7[%dma_start3A_26, %dma_start3A_27] : memref<10112x16xf32, #tpu.memory_space<vmem_shared>> -> memref<10112x16xf32, #tpu.memory_space<vmem_shared>>
        tpu.enqueue_indirect_dma source(%arg6 : memref<128x16xf32, #tpu.memory_space<vmem>>) target(%dma_start3A_28 : memref<10112x16xf32, #tpu.memory_space<vmem_shared>>) offsets(%dma_start3A_25 : memref<128xi32, #tpu.memory_space<vmem>>) semaphore(%run_scoped3A : memref<!tpu.dma_semaphore, #tpu.memory_space<semaphore_mem>>) {add = true}
        %dma_wait3A = arith.constant 0 : i32
        %dma_wait3A_29 = tpu.memref_slice %arg5[%add3A_23, %dma_wait3A] : memref<80x128xi32, #tpu.memory_space<vmem>> -> memref<1x128xi32, #tpu.memory_space<vmem>>
        %dma_wait3A_30 = tpu.memref_squeeze %dma_wait3A_29 : memref<1x128xi32, #tpu.memory_space<vmem>> -> memref<128xi32, #tpu.memory_space<vmem>>
        %dma_wait3A_31 = arith.constant 0 : i32
        %dma_wait3A_32 = arith.constant 0 : i32
        %dma_wait3A_33 = tpu.memref_slice %arg7[%dma_wait3A_31, %dma_wait3A_32] : memref<10112x16xf32, #tpu.memory_space<vmem_shared>> -> memref<10112x16xf32, #tpu.memory_space<vmem_shared>>
        tpu.wait_indirect_dma semaphore(%run_scoped3A : memref<!tpu.dma_semaphore, #tpu.memory_space<semaphore_mem>>) src(%arg6 : memref<128x16xf32, #tpu.memory_space<vmem>>) dst(%dma_wait3A_33 : memref<10112x16xf32, #tpu.memory_space<vmem_shared>>)
        tpu.yield
      }) : () -> ()
    }
    %scan3A_13 = arith.constant 80 : i32
    %barrier3A_14 = arith.constant 0 : index
    tpu.barrier barrier_id(%barrier3A_14)
    %mul3A_15 = arith.constant 632 : i32
    %mul3A_16 = arith.muli %arg1, %mul3A_15 : i32
    %mul3A_17 = arith.constant 632 : i32
    %mul3A_18 = arith.muli %arg1, %mul3A_17 : i32
    "tpu.region"() ({
      %run_scoped3A = tpu.sem_alloc : memref<!tpu.dma_semaphore, #tpu.memory_space<semaphore_mem>>
      %dma_start3A = arith.constant 0 : i32
      %dma_start3A_19 = tpu.memref_slice %arg4[%arg0, %mul3A_18, %dma_start3A] : memref<2x10112x16xf32, #tpu.memory_space<hbm>> -> memref<1x632x16xf32, #tpu.memory_space<hbm>>
      %dma_start3A_20 = tpu.memref_squeeze %dma_start3A_19 : memref<1x632x16xf32, #tpu.memory_space<hbm>> -> memref<632x16xf32, #tpu.memory_space<hbm>>
      %dma_start3A_21 = arith.constant 0 : i32
      %dma_start3A_22 = tpu.memref_slice %arg7[%mul3A_16, %dma_start3A_21] : memref<10112x16xf32, #tpu.memory_space<vmem_shared>> -> memref<632x16xf32, #tpu.memory_space<vmem_shared>>
      tpu.enqueue_dma source(%dma_start3A_22 : memref<632x16xf32, #tpu.memory_space<vmem_shared>>) target(%dma_start3A_20 : memref<632x16xf32, #tpu.memory_space<hbm>>) target_semaphore(%run_scoped3A : memref<!tpu.dma_semaphore, #tpu.memory_space<semaphore_mem>>)
      %dma_wait3A = arith.constant 0 : i32
      %dma_wait3A_23 = tpu.memref_slice %arg4[%arg0, %mul3A_18, %dma_wait3A] : memref<2x10112x16xf32, #tpu.memory_space<hbm>> -> memref<1x632x16xf32, #tpu.memory_space<hbm>>
      %dma_wait3A_24 = tpu.memref_squeeze %dma_wait3A_23 : memref<1x632x16xf32, #tpu.memory_space<hbm>> -> memref<632x16xf32, #tpu.memory_space<hbm>>
      %dma_wait3A_25 = arith.constant 0 : i32
      %dma_wait3A_26 = tpu.memref_slice %arg7[%mul3A_16, %dma_wait3A_25] : memref<10112x16xf32, #tpu.memory_space<vmem_shared>> -> memref<632x16xf32, #tpu.memory_space<vmem_shared>>
      tpu.wait_dma2 semaphore(%run_scoped3A : memref<!tpu.dma_semaphore, #tpu.memory_space<semaphore_mem>>) src(%dma_wait3A_26 : memref<632x16xf32, #tpu.memory_space<vmem_shared>>) dst(%dma_wait3A_24 : memref<632x16xf32, #tpu.memory_space<hbm>>)
      tpu.yield
    }) : () -> ()
    return
  }
}

#map = affine_map<(d0, d1) -> (0, 0)>
#map1 = affine_map<(d0, d1) -> (0, 0, 0)>
module attributes {stable_mosaic.version = 14 : i64} {
  func.func @_prop_sc(%arg0: i32, %arg1: i32, %arg2: memref<10000x128xf32, #tpu.memory_space<hbm>>, %arg3: memref<32x80x128xi32, #tpu.memory_space<hbm>>, %arg4: memref<32x80x128xi32, #tpu.memory_space<hbm>>, %arg5: memref<10112x128xf32, #tpu.memory_space<hbm>>, %arg6: memref<2x10112x128xf32, #tpu.memory_space<hbm>>, %arg7: memref<80x128xi32, #tpu.memory_space<vmem>>, %arg8: memref<80x128xi32, #tpu.memory_space<vmem>>, %arg9: memref<128x128xf32, #tpu.memory_space<vmem>>, %arg10: memref<10112x128xf32, #tpu.memory_space<vmem_shared>>, %arg11: memref<!tpu.dma_semaphore, #tpu.memory_space<semaphore_mem>>) attributes {dimension_semantics = [#tpu.dimension_semantics<core_parallel>, #tpu.dimension_semantics<subcore_parallel>], iteration_bounds = array<i64: 2, 16>, scalar_prefetch = 0 : i64, scratch_operands = 5 : i64, tpu.core_type = #tpu.core_type<sc_vector_subcore>, window_params = [{transform_indices = #map}, {transform_indices = #map1}, {transform_indices = #map1}, {transform_indices = #map}, {transform_indices = #map1}]} {
    %mul3A = arith.constant 2 : i32
    %mul3A_0 = arith.muli %arg1, %mul3A : i32
    %add3A = arith.addi %mul3A_0, %arg0 : i32
    %mul3A_1 = arith.constant 632 : i32
    %mul3A_2 = arith.muli %arg1, %mul3A_1 : i32
    %mul3A_3 = arith.constant 632 : i32
    %mul3A_4 = arith.muli %arg1, %mul3A_3 : i32
    "tpu.region"() ({
      %run_scoped3A = tpu.sem_alloc : memref<!tpu.dma_semaphore, #tpu.memory_space<semaphore_mem>>
      %dma_start3A = arith.constant 0 : i32
      %dma_start3A_14 = tpu.memref_slice %arg10[%mul3A_4, %dma_start3A] : memref<10112x128xf32, #tpu.memory_space<vmem_shared>> -> memref<632x128xf32, #tpu.memory_space<vmem_shared>>
      %dma_start3A_15 = arith.constant 0 : i32
      %dma_start3A_16 = tpu.memref_slice %arg5[%mul3A_2, %dma_start3A_15] : memref<10112x128xf32, #tpu.memory_space<hbm>> -> memref<632x128xf32, #tpu.memory_space<hbm>>
      tpu.enqueue_dma source(%dma_start3A_16 : memref<632x128xf32, #tpu.memory_space<hbm>>) target(%dma_start3A_14 : memref<632x128xf32, #tpu.memory_space<vmem_shared>>) target_semaphore(%run_scoped3A : memref<!tpu.dma_semaphore, #tpu.memory_space<semaphore_mem>>)
      %dma_wait3A = arith.constant 0 : i32
      %dma_wait3A_17 = tpu.memref_slice %arg10[%mul3A_4, %dma_wait3A] : memref<10112x128xf32, #tpu.memory_space<vmem_shared>> -> memref<632x128xf32, #tpu.memory_space<vmem_shared>>
      %dma_wait3A_18 = arith.constant 0 : i32
      %dma_wait3A_19 = tpu.memref_slice %arg5[%mul3A_2, %dma_wait3A_18] : memref<10112x128xf32, #tpu.memory_space<hbm>> -> memref<632x128xf32, #tpu.memory_space<hbm>>
      tpu.wait_dma2 semaphore(%run_scoped3A : memref<!tpu.dma_semaphore, #tpu.memory_space<semaphore_mem>>) src(%dma_wait3A_19 : memref<632x128xf32, #tpu.memory_space<hbm>>) dst(%dma_wait3A_17 : memref<632x128xf32, #tpu.memory_space<vmem_shared>>)
      tpu.yield
    }) : () -> ()
    "tpu.region"() ({
      %run_scoped3A = tpu.sem_alloc : memref<!tpu.dma_semaphore, #tpu.memory_space<semaphore_mem>>
      %dma_start3A = arith.constant 0 : i32
      %dma_start3A_14 = arith.constant 0 : i32
      %dma_start3A_15 = tpu.memref_slice %arg3[%add3A, %dma_start3A, %dma_start3A_14] : memref<32x80x128xi32, #tpu.memory_space<hbm>> -> memref<1x80x128xi32, #tpu.memory_space<hbm>>
      %dma_start3A_16 = tpu.memref_squeeze %dma_start3A_15 : memref<1x80x128xi32, #tpu.memory_space<hbm>> -> memref<80x128xi32, #tpu.memory_space<hbm>>
      %dma_start3A_17 = arith.constant 0 : i32
      %dma_start3A_18 = arith.constant 0 : i32
      %dma_start3A_19 = tpu.memref_slice %arg3[%add3A, %dma_start3A_17, %dma_start3A_18] : memref<32x80x128xi32, #tpu.memory_space<hbm>> -> memref<1x80x128xi32, #tpu.memory_space<hbm>>
      %dma_start3A_20 = tpu.memref_squeeze %dma_start3A_19 : memref<1x80x128xi32, #tpu.memory_space<hbm>> -> memref<80x128xi32, #tpu.memory_space<hbm>>
      tpu.enqueue_dma source(%dma_start3A_20 : memref<80x128xi32, #tpu.memory_space<hbm>>) target(%arg7 : memref<80x128xi32, #tpu.memory_space<vmem>>) target_semaphore(%run_scoped3A : memref<!tpu.dma_semaphore, #tpu.memory_space<semaphore_mem>>)
      %dma_wait3A = arith.constant 0 : i32
      %dma_wait3A_21 = arith.constant 0 : i32
      %dma_wait3A_22 = tpu.memref_slice %arg3[%add3A, %dma_wait3A, %dma_wait3A_21] : memref<32x80x128xi32, #tpu.memory_space<hbm>> -> memref<1x80x128xi32, #tpu.memory_space<hbm>>
      %dma_wait3A_23 = tpu.memref_squeeze %dma_wait3A_22 : memref<1x80x128xi32, #tpu.memory_space<hbm>> -> memref<80x128xi32, #tpu.memory_space<hbm>>
      %dma_wait3A_24 = arith.constant 0 : i32
      %dma_wait3A_25 = arith.constant 0 : i32
      %dma_wait3A_26 = tpu.memref_slice %arg3[%add3A, %dma_wait3A_24, %dma_wait3A_25] : memref<32x80x128xi32, #tpu.memory_space<hbm>> -> memref<1x80x128xi32, #tpu.memory_space<hbm>>
      %dma_wait3A_27 = tpu.memref_squeeze %dma_wait3A_26 : memref<1x80x128xi32, #tpu.memory_space<hbm>> -> memref<80x128xi32, #tpu.memory_space<hbm>>
      tpu.wait_dma2 semaphore(%run_scoped3A : memref<!tpu.dma_semaphore, #tpu.memory_space<semaphore_mem>>) src(%dma_wait3A_27 : memref<80x128xi32, #tpu.memory_space<hbm>>) dst(%arg7 : memref<80x128xi32, #tpu.memory_space<vmem>>)
      tpu.yield
    }) : () -> ()
    "tpu.region"() ({
      %run_scoped3A = tpu.sem_alloc : memref<!tpu.dma_semaphore, #tpu.memory_space<semaphore_mem>>
      %dma_start3A = arith.constant 0 : i32
      %dma_start3A_14 = arith.constant 0 : i32
      %dma_start3A_15 = tpu.memref_slice %arg4[%add3A, %dma_start3A, %dma_start3A_14] : memref<32x80x128xi32, #tpu.memory_space<hbm>> -> memref<1x80x128xi32, #tpu.memory_space<hbm>>
      %dma_start3A_16 = tpu.memref_squeeze %dma_start3A_15 : memref<1x80x128xi32, #tpu.memory_space<hbm>> -> memref<80x128xi32, #tpu.memory_space<hbm>>
      %dma_start3A_17 = arith.constant 0 : i32
      %dma_start3A_18 = arith.constant 0 : i32
      %dma_start3A_19 = tpu.memref_slice %arg4[%add3A, %dma_start3A_17, %dma_start3A_18] : memref<32x80x128xi32, #tpu.memory_space<hbm>> -> memref<1x80x128xi32, #tpu.memory_space<hbm>>
      %dma_start3A_20 = tpu.memref_squeeze %dma_start3A_19 : memref<1x80x128xi32, #tpu.memory_space<hbm>> -> memref<80x128xi32, #tpu.memory_space<hbm>>
      tpu.enqueue_dma source(%dma_start3A_20 : memref<80x128xi32, #tpu.memory_space<hbm>>) target(%arg8 : memref<80x128xi32, #tpu.memory_space<vmem>>) target_semaphore(%run_scoped3A : memref<!tpu.dma_semaphore, #tpu.memory_space<semaphore_mem>>)
      %dma_wait3A = arith.constant 0 : i32
      %dma_wait3A_21 = arith.constant 0 : i32
      %dma_wait3A_22 = tpu.memref_slice %arg4[%add3A, %dma_wait3A, %dma_wait3A_21] : memref<32x80x128xi32, #tpu.memory_space<hbm>> -> memref<1x80x128xi32, #tpu.memory_space<hbm>>
      %dma_wait3A_23 = tpu.memref_squeeze %dma_wait3A_22 : memref<1x80x128xi32, #tpu.memory_space<hbm>> -> memref<80x128xi32, #tpu.memory_space<hbm>>
      %dma_wait3A_24 = arith.constant 0 : i32
      %dma_wait3A_25 = arith.constant 0 : i32
      %dma_wait3A_26 = tpu.memref_slice %arg4[%add3A, %dma_wait3A_24, %dma_wait3A_25] : memref<32x80x128xi32, #tpu.memory_space<hbm>> -> memref<1x80x128xi32, #tpu.memory_space<hbm>>
      %dma_wait3A_27 = tpu.memref_squeeze %dma_wait3A_26 : memref<1x80x128xi32, #tpu.memory_space<hbm>> -> memref<80x128xi32, #tpu.memory_space<hbm>>
      tpu.wait_dma2 semaphore(%run_scoped3A : memref<!tpu.dma_semaphore, #tpu.memory_space<semaphore_mem>>) src(%dma_wait3A_27 : memref<80x128xi32, #tpu.memory_space<hbm>>) dst(%arg8 : memref<80x128xi32, #tpu.memory_space<vmem>>)
      tpu.yield
    }) : () -> ()
    %barrier3A = arith.constant 0 : index
    tpu.barrier barrier_id(%barrier3A)
    %scan3A = arith.constant 0 : i32
    %scan3A_5 = arith.constant 80 : i32
    %scan3A_6 = arith.addi %scan3A, %scan3A_5 : i32
    %scan3A_7 = arith.constant 1 : i32
    scf.for %scan3A_14 = %scan3A to %scan3A_6 step %scan3A_7  : i32 {
      %mul3A_15 = arith.constant 1 : i32
      %mul3A_16 = arith.muli %scan3A_14, %mul3A_15 : i32
      %add3A_17 = arith.constant 0 : i32
      %add3A_18 = arith.addi %add3A_17, %mul3A_16 : i32
      %dma_start3A = arith.constant 0 : i32
      %dma_start3A_19 = tpu.memref_slice %arg7[%add3A_18, %dma_start3A] : memref<80x128xi32, #tpu.memory_space<vmem>> -> memref<1x128xi32, #tpu.memory_space<vmem>>
      %dma_start3A_20 = tpu.memref_squeeze %dma_start3A_19 : memref<1x128xi32, #tpu.memory_space<vmem>> -> memref<128xi32, #tpu.memory_space<vmem>>
      %dma_start3A_21 = arith.constant 0 : i32
      %dma_start3A_22 = arith.constant 0 : i32
      %dma_start3A_23 = tpu.memref_slice %arg2[%dma_start3A_21, %dma_start3A_22] : memref<10000x128xf32, #tpu.memory_space<hbm>> -> memref<10000x128xf32, #tpu.memory_space<hbm>>
      tpu.enqueue_indirect_dma source(%dma_start3A_23 : memref<10000x128xf32, #tpu.memory_space<hbm>>) target(%arg9 : memref<128x128xf32, #tpu.memory_space<vmem>>) offsets(%dma_start3A_20 : memref<128xi32, #tpu.memory_space<vmem>>) semaphore(%arg11 : memref<!tpu.dma_semaphore, #tpu.memory_space<semaphore_mem>>)
      %dma_wait3A = arith.constant 0 : i32
      %dma_wait3A_24 = tpu.memref_slice %arg7[%add3A_18, %dma_wait3A] : memref<80x128xi32, #tpu.memory_space<vmem>> -> memref<1x128xi32, #tpu.memory_space<vmem>>
      %dma_wait3A_25 = tpu.memref_squeeze %dma_wait3A_24 : memref<1x128xi32, #tpu.memory_space<vmem>> -> memref<128xi32, #tpu.memory_space<vmem>>
      %dma_wait3A_26 = arith.constant 0 : i32
      %dma_wait3A_27 = arith.constant 0 : i32
      %dma_wait3A_28 = tpu.memref_slice %arg2[%dma_wait3A_26, %dma_wait3A_27] : memref<10000x128xf32, #tpu.memory_space<hbm>> -> memref<10000x128xf32, #tpu.memory_space<hbm>>
      tpu.wait_indirect_dma semaphore(%arg11 : memref<!tpu.dma_semaphore, #tpu.memory_space<semaphore_mem>>) src(%dma_wait3A_28 : memref<10000x128xf32, #tpu.memory_space<hbm>>) dst(%arg9 : memref<128x128xf32, #tpu.memory_space<vmem>>)
      "tpu.region"() ({
        %run_scoped3A = tpu.sem_alloc : memref<!tpu.dma_semaphore, #tpu.memory_space<semaphore_mem>>
        %dma_start3A_29 = arith.constant 0 : i32
        %dma_start3A_30 = tpu.memref_slice %arg8[%add3A_18, %dma_start3A_29] : memref<80x128xi32, #tpu.memory_space<vmem>> -> memref<1x128xi32, #tpu.memory_space<vmem>>
        %dma_start3A_31 = tpu.memref_squeeze %dma_start3A_30 : memref<1x128xi32, #tpu.memory_space<vmem>> -> memref<128xi32, #tpu.memory_space<vmem>>
        %dma_start3A_32 = arith.constant 0 : i32
        %dma_start3A_33 = arith.constant 0 : i32
        %dma_start3A_34 = tpu.memref_slice %arg10[%dma_start3A_32, %dma_start3A_33] : memref<10112x128xf32, #tpu.memory_space<vmem_shared>> -> memref<10112x128xf32, #tpu.memory_space<vmem_shared>>
        tpu.enqueue_indirect_dma source(%arg9 : memref<128x128xf32, #tpu.memory_space<vmem>>) target(%dma_start3A_34 : memref<10112x128xf32, #tpu.memory_space<vmem_shared>>) offsets(%dma_start3A_31 : memref<128xi32, #tpu.memory_space<vmem>>) semaphore(%run_scoped3A : memref<!tpu.dma_semaphore, #tpu.memory_space<semaphore_mem>>) {add = true}
        %dma_wait3A_35 = arith.constant 0 : i32
        %dma_wait3A_36 = tpu.memref_slice %arg8[%add3A_18, %dma_wait3A_35] : memref<80x128xi32, #tpu.memory_space<vmem>> -> memref<1x128xi32, #tpu.memory_space<vmem>>
        %dma_wait3A_37 = tpu.memref_squeeze %dma_wait3A_36 : memref<1x128xi32, #tpu.memory_space<vmem>> -> memref<128xi32, #tpu.memory_space<vmem>>
        %dma_wait3A_38 = arith.constant 0 : i32
        %dma_wait3A_39 = arith.constant 0 : i32
        %dma_wait3A_40 = tpu.memref_slice %arg10[%dma_wait3A_38, %dma_wait3A_39] : memref<10112x128xf32, #tpu.memory_space<vmem_shared>> -> memref<10112x128xf32, #tpu.memory_space<vmem_shared>>
        tpu.wait_indirect_dma semaphore(%run_scoped3A : memref<!tpu.dma_semaphore, #tpu.memory_space<semaphore_mem>>) src(%arg9 : memref<128x128xf32, #tpu.memory_space<vmem>>) dst(%dma_wait3A_40 : memref<10112x128xf32, #tpu.memory_space<vmem_shared>>)
        tpu.yield
      }) : () -> ()
    }
    %scan3A_8 = arith.constant 80 : i32
    %barrier3A_9 = arith.constant 0 : index
    tpu.barrier barrier_id(%barrier3A_9)
    %mul3A_10 = arith.constant 632 : i32
    %mul3A_11 = arith.muli %arg1, %mul3A_10 : i32
    %mul3A_12 = arith.constant 632 : i32
    %mul3A_13 = arith.muli %arg1, %mul3A_12 : i32
    "tpu.region"() ({
      %run_scoped3A = tpu.sem_alloc : memref<!tpu.dma_semaphore, #tpu.memory_space<semaphore_mem>>
      %dma_start3A = arith.constant 0 : i32
      %dma_start3A_14 = tpu.memref_slice %arg6[%arg0, %mul3A_13, %dma_start3A] : memref<2x10112x128xf32, #tpu.memory_space<hbm>> -> memref<1x632x128xf32, #tpu.memory_space<hbm>>
      %dma_start3A_15 = tpu.memref_squeeze %dma_start3A_14 : memref<1x632x128xf32, #tpu.memory_space<hbm>> -> memref<632x128xf32, #tpu.memory_space<hbm>>
      %dma_start3A_16 = arith.constant 0 : i32
      %dma_start3A_17 = tpu.memref_slice %arg10[%mul3A_11, %dma_start3A_16] : memref<10112x128xf32, #tpu.memory_space<vmem_shared>> -> memref<632x128xf32, #tpu.memory_space<vmem_shared>>
      tpu.enqueue_dma source(%dma_start3A_17 : memref<632x128xf32, #tpu.memory_space<vmem_shared>>) target(%dma_start3A_15 : memref<632x128xf32, #tpu.memory_space<hbm>>) target_semaphore(%run_scoped3A : memref<!tpu.dma_semaphore, #tpu.memory_space<semaphore_mem>>)
      %dma_wait3A = arith.constant 0 : i32
      %dma_wait3A_18 = tpu.memref_slice %arg6[%arg0, %mul3A_13, %dma_wait3A] : memref<2x10112x128xf32, #tpu.memory_space<hbm>> -> memref<1x632x128xf32, #tpu.memory_space<hbm>>
      %dma_wait3A_19 = tpu.memref_squeeze %dma_wait3A_18 : memref<1x632x128xf32, #tpu.memory_space<hbm>> -> memref<632x128xf32, #tpu.memory_space<hbm>>
      %dma_wait3A_20 = arith.constant 0 : i32
      %dma_wait3A_21 = tpu.memref_slice %arg10[%mul3A_11, %dma_wait3A_20] : memref<10112x128xf32, #tpu.memory_space<vmem_shared>> -> memref<632x128xf32, #tpu.memory_space<vmem_shared>>
      tpu.wait_dma2 semaphore(%run_scoped3A : memref<!tpu.dma_semaphore, #tpu.memory_space<semaphore_mem>>) src(%dma_wait3A_21 : memref<632x128xf32, #tpu.memory_space<vmem_shared>>) dst(%dma_wait3A_19 : memref<632x128xf32, #tpu.memory_space<hbm>>)
      tpu.yield
    }) : () -> ()
    return
  }
}

#map = affine_map<(d0, d1) -> (0, 0)>
#map1 = affine_map<(d0, d1) -> (0, 0, 0)>
module attributes {stable_mosaic.version = 14 : i64} {
  func.func @_prop_sc(%arg0: i32, %arg1: i32, %arg2: memref<10000x128xf32, #tpu.memory_space<hbm>>, %arg3: memref<32x80x128xi32, #tpu.memory_space<hbm>>, %arg4: memref<32x80x128xi32, #tpu.memory_space<hbm>>, %arg5: memref<10112x128xf32, #tpu.memory_space<hbm>>, %arg6: memref<2x10112x128xf32, #tpu.memory_space<hbm>>, %arg7: memref<80x128xi32, #tpu.memory_space<vmem>>, %arg8: memref<80x128xi32, #tpu.memory_space<vmem>>, %arg9: memref<128x128xf32, #tpu.memory_space<vmem>>, %arg10: memref<10112x128xf32, #tpu.memory_space<vmem_shared>>, %arg11: memref<!tpu.dma_semaphore, #tpu.memory_space<semaphore_mem>>) attributes {dimension_semantics = [#tpu.dimension_semantics<core_parallel>, #tpu.dimension_semantics<subcore_parallel>], iteration_bounds = array<i64: 2, 16>, scalar_prefetch = 0 : i64, scratch_operands = 5 : i64, tpu.core_type = #tpu.core_type<sc_vector_subcore>, window_params = [{transform_indices = #map}, {transform_indices = #map1}, {transform_indices = #map1}, {transform_indices = #map}, {transform_indices = #map1}]} {
    %mul3A = arith.constant 2 : i32
    %mul3A_0 = arith.muli %arg1, %mul3A : i32
    %add3A = arith.addi %mul3A_0, %arg0 : i32
    %mul3A_1 = arith.constant 632 : i32
    %mul3A_2 = arith.muli %arg1, %mul3A_1 : i32
    %mul3A_3 = arith.constant 632 : i32
    %mul3A_4 = arith.muli %arg1, %mul3A_3 : i32
    "tpu.region"() ({
      %run_scoped3A = tpu.sem_alloc : memref<!tpu.dma_semaphore, #tpu.memory_space<semaphore_mem>>
      %dma_start3A = arith.constant 0 : i32
      %dma_start3A_14 = tpu.memref_slice %arg10[%mul3A_4, %dma_start3A] : memref<10112x128xf32, #tpu.memory_space<vmem_shared>> -> memref<632x128xf32, #tpu.memory_space<vmem_shared>>
      %dma_start3A_15 = arith.constant 0 : i32
      %dma_start3A_16 = tpu.memref_slice %arg5[%mul3A_2, %dma_start3A_15] : memref<10112x128xf32, #tpu.memory_space<hbm>> -> memref<632x128xf32, #tpu.memory_space<hbm>>
      tpu.enqueue_dma source(%dma_start3A_16 : memref<632x128xf32, #tpu.memory_space<hbm>>) target(%dma_start3A_14 : memref<632x128xf32, #tpu.memory_space<vmem_shared>>) target_semaphore(%run_scoped3A : memref<!tpu.dma_semaphore, #tpu.memory_space<semaphore_mem>>)
      %dma_wait3A = arith.constant 0 : i32
      %dma_wait3A_17 = tpu.memref_slice %arg10[%mul3A_4, %dma_wait3A] : memref<10112x128xf32, #tpu.memory_space<vmem_shared>> -> memref<632x128xf32, #tpu.memory_space<vmem_shared>>
      %dma_wait3A_18 = arith.constant 0 : i32
      %dma_wait3A_19 = tpu.memref_slice %arg5[%mul3A_2, %dma_wait3A_18] : memref<10112x128xf32, #tpu.memory_space<hbm>> -> memref<632x128xf32, #tpu.memory_space<hbm>>
      tpu.wait_dma2 semaphore(%run_scoped3A : memref<!tpu.dma_semaphore, #tpu.memory_space<semaphore_mem>>) src(%dma_wait3A_19 : memref<632x128xf32, #tpu.memory_space<hbm>>) dst(%dma_wait3A_17 : memref<632x128xf32, #tpu.memory_space<vmem_shared>>)
      tpu.yield
    }) : () -> ()
    "tpu.region"() ({
      %run_scoped3A = tpu.sem_alloc : memref<!tpu.dma_semaphore, #tpu.memory_space<semaphore_mem>>
      %dma_start3A = arith.constant 0 : i32
      %dma_start3A_14 = arith.constant 0 : i32
      %dma_start3A_15 = tpu.memref_slice %arg3[%add3A, %dma_start3A, %dma_start3A_14] : memref<32x80x128xi32, #tpu.memory_space<hbm>> -> memref<1x80x128xi32, #tpu.memory_space<hbm>>
      %dma_start3A_16 = tpu.memref_squeeze %dma_start3A_15 : memref<1x80x128xi32, #tpu.memory_space<hbm>> -> memref<80x128xi32, #tpu.memory_space<hbm>>
      %dma_start3A_17 = arith.constant 0 : i32
      %dma_start3A_18 = arith.constant 0 : i32
      %dma_start3A_19 = tpu.memref_slice %arg3[%add3A, %dma_start3A_17, %dma_start3A_18] : memref<32x80x128xi32, #tpu.memory_space<hbm>> -> memref<1x80x128xi32, #tpu.memory_space<hbm>>
      %dma_start3A_20 = tpu.memref_squeeze %dma_start3A_19 : memref<1x80x128xi32, #tpu.memory_space<hbm>> -> memref<80x128xi32, #tpu.memory_space<hbm>>
      tpu.enqueue_dma source(%dma_start3A_20 : memref<80x128xi32, #tpu.memory_space<hbm>>) target(%arg7 : memref<80x128xi32, #tpu.memory_space<vmem>>) target_semaphore(%run_scoped3A : memref<!tpu.dma_semaphore, #tpu.memory_space<semaphore_mem>>)
      %dma_wait3A = arith.constant 0 : i32
      %dma_wait3A_21 = arith.constant 0 : i32
      %dma_wait3A_22 = tpu.memref_slice %arg3[%add3A, %dma_wait3A, %dma_wait3A_21] : memref<32x80x128xi32, #tpu.memory_space<hbm>> -> memref<1x80x128xi32, #tpu.memory_space<hbm>>
      %dma_wait3A_23 = tpu.memref_squeeze %dma_wait3A_22 : memref<1x80x128xi32, #tpu.memory_space<hbm>> -> memref<80x128xi32, #tpu.memory_space<hbm>>
      %dma_wait3A_24 = arith.constant 0 : i32
      %dma_wait3A_25 = arith.constant 0 : i32
      %dma_wait3A_26 = tpu.memref_slice %arg3[%add3A, %dma_wait3A_24, %dma_wait3A_25] : memref<32x80x128xi32, #tpu.memory_space<hbm>> -> memref<1x80x128xi32, #tpu.memory_space<hbm>>
      %dma_wait3A_27 = tpu.memref_squeeze %dma_wait3A_26 : memref<1x80x128xi32, #tpu.memory_space<hbm>> -> memref<80x128xi32, #tpu.memory_space<hbm>>
      tpu.wait_dma2 semaphore(%run_scoped3A : memref<!tpu.dma_semaphore, #tpu.memory_space<semaphore_mem>>) src(%dma_wait3A_27 : memref<80x128xi32, #tpu.memory_space<hbm>>) dst(%arg7 : memref<80x128xi32, #tpu.memory_space<vmem>>)
      tpu.yield
    }) : () -> ()
    "tpu.region"() ({
      %run_scoped3A = tpu.sem_alloc : memref<!tpu.dma_semaphore, #tpu.memory_space<semaphore_mem>>
      %dma_start3A = arith.constant 0 : i32
      %dma_start3A_14 = arith.constant 0 : i32
      %dma_start3A_15 = tpu.memref_slice %arg4[%add3A, %dma_start3A, %dma_start3A_14] : memref<32x80x128xi32, #tpu.memory_space<hbm>> -> memref<1x80x128xi32, #tpu.memory_space<hbm>>
      %dma_start3A_16 = tpu.memref_squeeze %dma_start3A_15 : memref<1x80x128xi32, #tpu.memory_space<hbm>> -> memref<80x128xi32, #tpu.memory_space<hbm>>
      %dma_start3A_17 = arith.constant 0 : i32
      %dma_start3A_18 = arith.constant 0 : i32
      %dma_start3A_19 = tpu.memref_slice %arg4[%add3A, %dma_start3A_17, %dma_start3A_18] : memref<32x80x128xi32, #tpu.memory_space<hbm>> -> memref<1x80x128xi32, #tpu.memory_space<hbm>>
      %dma_start3A_20 = tpu.memref_squeeze %dma_start3A_19 : memref<1x80x128xi32, #tpu.memory_space<hbm>> -> memref<80x128xi32, #tpu.memory_space<hbm>>
      tpu.enqueue_dma source(%dma_start3A_20 : memref<80x128xi32, #tpu.memory_space<hbm>>) target(%arg8 : memref<80x128xi32, #tpu.memory_space<vmem>>) target_semaphore(%run_scoped3A : memref<!tpu.dma_semaphore, #tpu.memory_space<semaphore_mem>>)
      %dma_wait3A = arith.constant 0 : i32
      %dma_wait3A_21 = arith.constant 0 : i32
      %dma_wait3A_22 = tpu.memref_slice %arg4[%add3A, %dma_wait3A, %dma_wait3A_21] : memref<32x80x128xi32, #tpu.memory_space<hbm>> -> memref<1x80x128xi32, #tpu.memory_space<hbm>>
      %dma_wait3A_23 = tpu.memref_squeeze %dma_wait3A_22 : memref<1x80x128xi32, #tpu.memory_space<hbm>> -> memref<80x128xi32, #tpu.memory_space<hbm>>
      %dma_wait3A_24 = arith.constant 0 : i32
      %dma_wait3A_25 = arith.constant 0 : i32
      %dma_wait3A_26 = tpu.memref_slice %arg4[%add3A, %dma_wait3A_24, %dma_wait3A_25] : memref<32x80x128xi32, #tpu.memory_space<hbm>> -> memref<1x80x128xi32, #tpu.memory_space<hbm>>
      %dma_wait3A_27 = tpu.memref_squeeze %dma_wait3A_26 : memref<1x80x128xi32, #tpu.memory_space<hbm>> -> memref<80x128xi32, #tpu.memory_space<hbm>>
      tpu.wait_dma2 semaphore(%run_scoped3A : memref<!tpu.dma_semaphore, #tpu.memory_space<semaphore_mem>>) src(%dma_wait3A_27 : memref<80x128xi32, #tpu.memory_space<hbm>>) dst(%arg8 : memref<80x128xi32, #tpu.memory_space<vmem>>)
      tpu.yield
    }) : () -> ()
    %barrier3A = arith.constant 0 : index
    tpu.barrier barrier_id(%barrier3A)
    %scan3A = arith.constant 0 : i32
    %scan3A_5 = arith.constant 80 : i32
    %scan3A_6 = arith.addi %scan3A, %scan3A_5 : i32
    %scan3A_7 = arith.constant 1 : i32
    scf.for %scan3A_14 = %scan3A to %scan3A_6 step %scan3A_7  : i32 {
      %mul3A_15 = arith.constant 1 : i32
      %mul3A_16 = arith.muli %scan3A_14, %mul3A_15 : i32
      %add3A_17 = arith.constant 0 : i32
      %add3A_18 = arith.addi %add3A_17, %mul3A_16 : i32
      %dma_start3A = arith.constant 0 : i32
      %dma_start3A_19 = tpu.memref_slice %arg7[%add3A_18, %dma_start3A] : memref<80x128xi32, #tpu.memory_space<vmem>> -> memref<1x128xi32, #tpu.memory_space<vmem>>
      %dma_start3A_20 = tpu.memref_squeeze %dma_start3A_19 : memref<1x128xi32, #tpu.memory_space<vmem>> -> memref<128xi32, #tpu.memory_space<vmem>>
      %dma_start3A_21 = arith.constant 0 : i32
      %dma_start3A_22 = arith.constant 0 : i32
      %dma_start3A_23 = tpu.memref_slice %arg2[%dma_start3A_21, %dma_start3A_22] : memref<10000x128xf32, #tpu.memory_space<hbm>> -> memref<10000x128xf32, #tpu.memory_space<hbm>>
      tpu.enqueue_indirect_dma source(%dma_start3A_23 : memref<10000x128xf32, #tpu.memory_space<hbm>>) target(%arg9 : memref<128x128xf32, #tpu.memory_space<vmem>>) offsets(%dma_start3A_20 : memref<128xi32, #tpu.memory_space<vmem>>) semaphore(%arg11 : memref<!tpu.dma_semaphore, #tpu.memory_space<semaphore_mem>>)
      %dma_wait3A = arith.constant 0 : i32
      %dma_wait3A_24 = tpu.memref_slice %arg7[%add3A_18, %dma_wait3A] : memref<80x128xi32, #tpu.memory_space<vmem>> -> memref<1x128xi32, #tpu.memory_space<vmem>>
      %dma_wait3A_25 = tpu.memref_squeeze %dma_wait3A_24 : memref<1x128xi32, #tpu.memory_space<vmem>> -> memref<128xi32, #tpu.memory_space<vmem>>
      %dma_wait3A_26 = arith.constant 0 : i32
      %dma_wait3A_27 = arith.constant 0 : i32
      %dma_wait3A_28 = tpu.memref_slice %arg2[%dma_wait3A_26, %dma_wait3A_27] : memref<10000x128xf32, #tpu.memory_space<hbm>> -> memref<10000x128xf32, #tpu.memory_space<hbm>>
      tpu.wait_indirect_dma semaphore(%arg11 : memref<!tpu.dma_semaphore, #tpu.memory_space<semaphore_mem>>) src(%dma_wait3A_28 : memref<10000x128xf32, #tpu.memory_space<hbm>>) dst(%arg9 : memref<128x128xf32, #tpu.memory_space<vmem>>)
      "tpu.region"() ({
        %run_scoped3A = tpu.sem_alloc : memref<!tpu.dma_semaphore, #tpu.memory_space<semaphore_mem>>
        %dma_start3A_29 = arith.constant 0 : i32
        %dma_start3A_30 = tpu.memref_slice %arg8[%add3A_18, %dma_start3A_29] : memref<80x128xi32, #tpu.memory_space<vmem>> -> memref<1x128xi32, #tpu.memory_space<vmem>>
        %dma_start3A_31 = tpu.memref_squeeze %dma_start3A_30 : memref<1x128xi32, #tpu.memory_space<vmem>> -> memref<128xi32, #tpu.memory_space<vmem>>
        %dma_start3A_32 = arith.constant 0 : i32
        %dma_start3A_33 = arith.constant 0 : i32
        %dma_start3A_34 = tpu.memref_slice %arg10[%dma_start3A_32, %dma_start3A_33] : memref<10112x128xf32, #tpu.memory_space<vmem_shared>> -> memref<10112x128xf32, #tpu.memory_space<vmem_shared>>
        tpu.enqueue_indirect_dma source(%arg9 : memref<128x128xf32, #tpu.memory_space<vmem>>) target(%dma_start3A_34 : memref<10112x128xf32, #tpu.memory_space<vmem_shared>>) offsets(%dma_start3A_31 : memref<128xi32, #tpu.memory_space<vmem>>) semaphore(%run_scoped3A : memref<!tpu.dma_semaphore, #tpu.memory_space<semaphore_mem>>) {add = true}
        %dma_wait3A_35 = arith.constant 0 : i32
        %dma_wait3A_36 = tpu.memref_slice %arg8[%add3A_18, %dma_wait3A_35] : memref<80x128xi32, #tpu.memory_space<vmem>> -> memref<1x128xi32, #tpu.memory_space<vmem>>
        %dma_wait3A_37 = tpu.memref_squeeze %dma_wait3A_36 : memref<1x128xi32, #tpu.memory_space<vmem>> -> memref<128xi32, #tpu.memory_space<vmem>>
        %dma_wait3A_38 = arith.constant 0 : i32
        %dma_wait3A_39 = arith.constant 0 : i32
        %dma_wait3A_40 = tpu.memref_slice %arg10[%dma_wait3A_38, %dma_wait3A_39] : memref<10112x128xf32, #tpu.memory_space<vmem_shared>> -> memref<10112x128xf32, #tpu.memory_space<vmem_shared>>
        tpu.wait_indirect_dma semaphore(%run_scoped3A : memref<!tpu.dma_semaphore, #tpu.memory_space<semaphore_mem>>) src(%arg9 : memref<128x128xf32, #tpu.memory_space<vmem>>) dst(%dma_wait3A_40 : memref<10112x128xf32, #tpu.memory_space<vmem_shared>>)
        tpu.yield
      }) : () -> ()
    }
    %scan3A_8 = arith.constant 80 : i32
    %barrier3A_9 = arith.constant 0 : index
    tpu.barrier barrier_id(%barrier3A_9)
    %mul3A_10 = arith.constant 632 : i32
    %mul3A_11 = arith.muli %arg1, %mul3A_10 : i32
    %mul3A_12 = arith.constant 632 : i32
    %mul3A_13 = arith.muli %arg1, %mul3A_12 : i32
    "tpu.region"() ({
      %run_scoped3A = tpu.sem_alloc : memref<!tpu.dma_semaphore, #tpu.memory_space<semaphore_mem>>
      %dma_start3A = arith.constant 0 : i32
      %dma_start3A_14 = tpu.memref_slice %arg6[%arg0, %mul3A_13, %dma_start3A] : memref<2x10112x128xf32, #tpu.memory_space<hbm>> -> memref<1x632x128xf32, #tpu.memory_space<hbm>>
      %dma_start3A_15 = tpu.memref_squeeze %dma_start3A_14 : memref<1x632x128xf32, #tpu.memory_space<hbm>> -> memref<632x128xf32, #tpu.memory_space<hbm>>
      %dma_start3A_16 = arith.constant 0 : i32
      %dma_start3A_17 = tpu.memref_slice %arg10[%mul3A_11, %dma_start3A_16] : memref<10112x128xf32, #tpu.memory_space<vmem_shared>> -> memref<632x128xf32, #tpu.memory_space<vmem_shared>>
      tpu.enqueue_dma source(%dma_start3A_17 : memref<632x128xf32, #tpu.memory_space<vmem_shared>>) target(%dma_start3A_15 : memref<632x128xf32, #tpu.memory_space<hbm>>) target_semaphore(%run_scoped3A : memref<!tpu.dma_semaphore, #tpu.memory_space<semaphore_mem>>)
      %dma_wait3A = arith.constant 0 : i32
      %dma_wait3A_18 = tpu.memref_slice %arg6[%arg0, %mul3A_13, %dma_wait3A] : memref<2x10112x128xf32, #tpu.memory_space<hbm>> -> memref<1x632x128xf32, #tpu.memory_space<hbm>>
      %dma_wait3A_19 = tpu.memref_squeeze %dma_wait3A_18 : memref<1x632x128xf32, #tpu.memory_space<hbm>> -> memref<632x128xf32, #tpu.memory_space<hbm>>
      %dma_wait3A_20 = arith.constant 0 : i32
      %dma_wait3A_21 = tpu.memref_slice %arg10[%mul3A_11, %dma_wait3A_20] : memref<10112x128xf32, #tpu.memory_space<vmem_shared>> -> memref<632x128xf32, #tpu.memory_space<vmem_shared>>
      tpu.wait_dma2 semaphore(%run_scoped3A : memref<!tpu.dma_semaphore, #tpu.memory_space<semaphore_mem>>) src(%dma_wait3A_21 : memref<632x128xf32, #tpu.memory_space<vmem_shared>>) dst(%dma_wait3A_19 : memref<632x128xf32, #tpu.memory_space<hbm>>)
      tpu.yield
    }) : () -> ()
    return
  }
}

#map = affine_map<(d0, d1) -> (0, 0)>
#map1 = affine_map<(d0, d1) -> (0, 0, 0)>
module attributes {stable_mosaic.version = 14 : i64} {
  func.func @_prop_sc(%arg0: i32, %arg1: i32, %arg2: memref<10000x128xf32, #tpu.memory_space<hbm>>, %arg3: memref<32x80x128xi32, #tpu.memory_space<hbm>>, %arg4: memref<32x80x128xi32, #tpu.memory_space<hbm>>, %arg5: memref<10112x128xf32, #tpu.memory_space<hbm>>, %arg6: memref<2x10112x128xf32, #tpu.memory_space<hbm>>, %arg7: memref<80x128xi32, #tpu.memory_space<vmem>>, %arg8: memref<80x128xi32, #tpu.memory_space<vmem>>, %arg9: memref<128x128xf32, #tpu.memory_space<vmem>>, %arg10: memref<10112x128xf32, #tpu.memory_space<vmem_shared>>, %arg11: memref<!tpu.dma_semaphore, #tpu.memory_space<semaphore_mem>>) attributes {dimension_semantics = [#tpu.dimension_semantics<core_parallel>, #tpu.dimension_semantics<subcore_parallel>], iteration_bounds = array<i64: 2, 16>, scalar_prefetch = 0 : i64, scratch_operands = 5 : i64, tpu.core_type = #tpu.core_type<sc_vector_subcore>, window_params = [{transform_indices = #map}, {transform_indices = #map1}, {transform_indices = #map1}, {transform_indices = #map}, {transform_indices = #map1}]} {
    %mul3A = arith.constant 2 : i32
    %mul3A_0 = arith.muli %arg1, %mul3A : i32
    %add3A = arith.addi %mul3A_0, %arg0 : i32
    %mul3A_1 = arith.constant 632 : i32
    %mul3A_2 = arith.muli %arg1, %mul3A_1 : i32
    %mul3A_3 = arith.constant 632 : i32
    %mul3A_4 = arith.muli %arg1, %mul3A_3 : i32
    "tpu.region"() ({
      %run_scoped3A = tpu.sem_alloc : memref<!tpu.dma_semaphore, #tpu.memory_space<semaphore_mem>>
      %dma_start3A = arith.constant 0 : i32
      %dma_start3A_14 = tpu.memref_slice %arg10[%mul3A_4, %dma_start3A] : memref<10112x128xf32, #tpu.memory_space<vmem_shared>> -> memref<632x128xf32, #tpu.memory_space<vmem_shared>>
      %dma_start3A_15 = arith.constant 0 : i32
      %dma_start3A_16 = tpu.memref_slice %arg5[%mul3A_2, %dma_start3A_15] : memref<10112x128xf32, #tpu.memory_space<hbm>> -> memref<632x128xf32, #tpu.memory_space<hbm>>
      tpu.enqueue_dma source(%dma_start3A_16 : memref<632x128xf32, #tpu.memory_space<hbm>>) target(%dma_start3A_14 : memref<632x128xf32, #tpu.memory_space<vmem_shared>>) target_semaphore(%run_scoped3A : memref<!tpu.dma_semaphore, #tpu.memory_space<semaphore_mem>>)
      %dma_wait3A = arith.constant 0 : i32
      %dma_wait3A_17 = tpu.memref_slice %arg10[%mul3A_4, %dma_wait3A] : memref<10112x128xf32, #tpu.memory_space<vmem_shared>> -> memref<632x128xf32, #tpu.memory_space<vmem_shared>>
      %dma_wait3A_18 = arith.constant 0 : i32
      %dma_wait3A_19 = tpu.memref_slice %arg5[%mul3A_2, %dma_wait3A_18] : memref<10112x128xf32, #tpu.memory_space<hbm>> -> memref<632x128xf32, #tpu.memory_space<hbm>>
      tpu.wait_dma2 semaphore(%run_scoped3A : memref<!tpu.dma_semaphore, #tpu.memory_space<semaphore_mem>>) src(%dma_wait3A_19 : memref<632x128xf32, #tpu.memory_space<hbm>>) dst(%dma_wait3A_17 : memref<632x128xf32, #tpu.memory_space<vmem_shared>>)
      tpu.yield
    }) : () -> ()
    "tpu.region"() ({
      %run_scoped3A = tpu.sem_alloc : memref<!tpu.dma_semaphore, #tpu.memory_space<semaphore_mem>>
      %dma_start3A = arith.constant 0 : i32
      %dma_start3A_14 = arith.constant 0 : i32
      %dma_start3A_15 = tpu.memref_slice %arg3[%add3A, %dma_start3A, %dma_start3A_14] : memref<32x80x128xi32, #tpu.memory_space<hbm>> -> memref<1x80x128xi32, #tpu.memory_space<hbm>>
      %dma_start3A_16 = tpu.memref_squeeze %dma_start3A_15 : memref<1x80x128xi32, #tpu.memory_space<hbm>> -> memref<80x128xi32, #tpu.memory_space<hbm>>
      %dma_start3A_17 = arith.constant 0 : i32
      %dma_start3A_18 = arith.constant 0 : i32
      %dma_start3A_19 = tpu.memref_slice %arg3[%add3A, %dma_start3A_17, %dma_start3A_18] : memref<32x80x128xi32, #tpu.memory_space<hbm>> -> memref<1x80x128xi32, #tpu.memory_space<hbm>>
      %dma_start3A_20 = tpu.memref_squeeze %dma_start3A_19 : memref<1x80x128xi32, #tpu.memory_space<hbm>> -> memref<80x128xi32, #tpu.memory_space<hbm>>
      tpu.enqueue_dma source(%dma_start3A_20 : memref<80x128xi32, #tpu.memory_space<hbm>>) target(%arg7 : memref<80x128xi32, #tpu.memory_space<vmem>>) target_semaphore(%run_scoped3A : memref<!tpu.dma_semaphore, #tpu.memory_space<semaphore_mem>>)
      %dma_wait3A = arith.constant 0 : i32
      %dma_wait3A_21 = arith.constant 0 : i32
      %dma_wait3A_22 = tpu.memref_slice %arg3[%add3A, %dma_wait3A, %dma_wait3A_21] : memref<32x80x128xi32, #tpu.memory_space<hbm>> -> memref<1x80x128xi32, #tpu.memory_space<hbm>>
      %dma_wait3A_23 = tpu.memref_squeeze %dma_wait3A_22 : memref<1x80x128xi32, #tpu.memory_space<hbm>> -> memref<80x128xi32, #tpu.memory_space<hbm>>
      %dma_wait3A_24 = arith.constant 0 : i32
      %dma_wait3A_25 = arith.constant 0 : i32
      %dma_wait3A_26 = tpu.memref_slice %arg3[%add3A, %dma_wait3A_24, %dma_wait3A_25] : memref<32x80x128xi32, #tpu.memory_space<hbm>> -> memref<1x80x128xi32, #tpu.memory_space<hbm>>
      %dma_wait3A_27 = tpu.memref_squeeze %dma_wait3A_26 : memref<1x80x128xi32, #tpu.memory_space<hbm>> -> memref<80x128xi32, #tpu.memory_space<hbm>>
      tpu.wait_dma2 semaphore(%run_scoped3A : memref<!tpu.dma_semaphore, #tpu.memory_space<semaphore_mem>>) src(%dma_wait3A_27 : memref<80x128xi32, #tpu.memory_space<hbm>>) dst(%arg7 : memref<80x128xi32, #tpu.memory_space<vmem>>)
      tpu.yield
    }) : () -> ()
    "tpu.region"() ({
      %run_scoped3A = tpu.sem_alloc : memref<!tpu.dma_semaphore, #tpu.memory_space<semaphore_mem>>
      %dma_start3A = arith.constant 0 : i32
      %dma_start3A_14 = arith.constant 0 : i32
      %dma_start3A_15 = tpu.memref_slice %arg4[%add3A, %dma_start3A, %dma_start3A_14] : memref<32x80x128xi32, #tpu.memory_space<hbm>> -> memref<1x80x128xi32, #tpu.memory_space<hbm>>
      %dma_start3A_16 = tpu.memref_squeeze %dma_start3A_15 : memref<1x80x128xi32, #tpu.memory_space<hbm>> -> memref<80x128xi32, #tpu.memory_space<hbm>>
      %dma_start3A_17 = arith.constant 0 : i32
      %dma_start3A_18 = arith.constant 0 : i32
      %dma_start3A_19 = tpu.memref_slice %arg4[%add3A, %dma_start3A_17, %dma_start3A_18] : memref<32x80x128xi32, #tpu.memory_space<hbm>> -> memref<1x80x128xi32, #tpu.memory_space<hbm>>
      %dma_start3A_20 = tpu.memref_squeeze %dma_start3A_19 : memref<1x80x128xi32, #tpu.memory_space<hbm>> -> memref<80x128xi32, #tpu.memory_space<hbm>>
      tpu.enqueue_dma source(%dma_start3A_20 : memref<80x128xi32, #tpu.memory_space<hbm>>) target(%arg8 : memref<80x128xi32, #tpu.memory_space<vmem>>) target_semaphore(%run_scoped3A : memref<!tpu.dma_semaphore, #tpu.memory_space<semaphore_mem>>)
      %dma_wait3A = arith.constant 0 : i32
      %dma_wait3A_21 = arith.constant 0 : i32
      %dma_wait3A_22 = tpu.memref_slice %arg4[%add3A, %dma_wait3A, %dma_wait3A_21] : memref<32x80x128xi32, #tpu.memory_space<hbm>> -> memref<1x80x128xi32, #tpu.memory_space<hbm>>
      %dma_wait3A_23 = tpu.memref_squeeze %dma_wait3A_22 : memref<1x80x128xi32, #tpu.memory_space<hbm>> -> memref<80x128xi32, #tpu.memory_space<hbm>>
      %dma_wait3A_24 = arith.constant 0 : i32
      %dma_wait3A_25 = arith.constant 0 : i32
      %dma_wait3A_26 = tpu.memref_slice %arg4[%add3A, %dma_wait3A_24, %dma_wait3A_25] : memref<32x80x128xi32, #tpu.memory_space<hbm>> -> memref<1x80x128xi32, #tpu.memory_space<hbm>>
      %dma_wait3A_27 = tpu.memref_squeeze %dma_wait3A_26 : memref<1x80x128xi32, #tpu.memory_space<hbm>> -> memref<80x128xi32, #tpu.memory_space<hbm>>
      tpu.wait_dma2 semaphore(%run_scoped3A : memref<!tpu.dma_semaphore, #tpu.memory_space<semaphore_mem>>) src(%dma_wait3A_27 : memref<80x128xi32, #tpu.memory_space<hbm>>) dst(%arg8 : memref<80x128xi32, #tpu.memory_space<vmem>>)
      tpu.yield
    }) : () -> ()
    %barrier3A = arith.constant 0 : index
    tpu.barrier barrier_id(%barrier3A)
    %scan3A = arith.constant 0 : i32
    %scan3A_5 = arith.constant 80 : i32
    %scan3A_6 = arith.addi %scan3A, %scan3A_5 : i32
    %scan3A_7 = arith.constant 1 : i32
    scf.for %scan3A_14 = %scan3A to %scan3A_6 step %scan3A_7  : i32 {
      %mul3A_15 = arith.constant 1 : i32
      %mul3A_16 = arith.muli %scan3A_14, %mul3A_15 : i32
      %add3A_17 = arith.constant 0 : i32
      %add3A_18 = arith.addi %add3A_17, %mul3A_16 : i32
      %dma_start3A = arith.constant 0 : i32
      %dma_start3A_19 = tpu.memref_slice %arg7[%add3A_18, %dma_start3A] : memref<80x128xi32, #tpu.memory_space<vmem>> -> memref<1x128xi32, #tpu.memory_space<vmem>>
      %dma_start3A_20 = tpu.memref_squeeze %dma_start3A_19 : memref<1x128xi32, #tpu.memory_space<vmem>> -> memref<128xi32, #tpu.memory_space<vmem>>
      %dma_start3A_21 = arith.constant 0 : i32
      %dma_start3A_22 = arith.constant 0 : i32
      %dma_start3A_23 = tpu.memref_slice %arg2[%dma_start3A_21, %dma_start3A_22] : memref<10000x128xf32, #tpu.memory_space<hbm>> -> memref<10000x128xf32, #tpu.memory_space<hbm>>
      tpu.enqueue_indirect_dma source(%dma_start3A_23 : memref<10000x128xf32, #tpu.memory_space<hbm>>) target(%arg9 : memref<128x128xf32, #tpu.memory_space<vmem>>) offsets(%dma_start3A_20 : memref<128xi32, #tpu.memory_space<vmem>>) semaphore(%arg11 : memref<!tpu.dma_semaphore, #tpu.memory_space<semaphore_mem>>)
      %dma_wait3A = arith.constant 0 : i32
      %dma_wait3A_24 = tpu.memref_slice %arg7[%add3A_18, %dma_wait3A] : memref<80x128xi32, #tpu.memory_space<vmem>> -> memref<1x128xi32, #tpu.memory_space<vmem>>
      %dma_wait3A_25 = tpu.memref_squeeze %dma_wait3A_24 : memref<1x128xi32, #tpu.memory_space<vmem>> -> memref<128xi32, #tpu.memory_space<vmem>>
      %dma_wait3A_26 = arith.constant 0 : i32
      %dma_wait3A_27 = arith.constant 0 : i32
      %dma_wait3A_28 = tpu.memref_slice %arg2[%dma_wait3A_26, %dma_wait3A_27] : memref<10000x128xf32, #tpu.memory_space<hbm>> -> memref<10000x128xf32, #tpu.memory_space<hbm>>
      tpu.wait_indirect_dma semaphore(%arg11 : memref<!tpu.dma_semaphore, #tpu.memory_space<semaphore_mem>>) src(%dma_wait3A_28 : memref<10000x128xf32, #tpu.memory_space<hbm>>) dst(%arg9 : memref<128x128xf32, #tpu.memory_space<vmem>>)
      "tpu.region"() ({
        %run_scoped3A = tpu.sem_alloc : memref<!tpu.dma_semaphore, #tpu.memory_space<semaphore_mem>>
        %dma_start3A_29 = arith.constant 0 : i32
        %dma_start3A_30 = tpu.memref_slice %arg8[%add3A_18, %dma_start3A_29] : memref<80x128xi32, #tpu.memory_space<vmem>> -> memref<1x128xi32, #tpu.memory_space<vmem>>
        %dma_start3A_31 = tpu.memref_squeeze %dma_start3A_30 : memref<1x128xi32, #tpu.memory_space<vmem>> -> memref<128xi32, #tpu.memory_space<vmem>>
        %dma_start3A_32 = arith.constant 0 : i32
        %dma_start3A_33 = arith.constant 0 : i32
        %dma_start3A_34 = tpu.memref_slice %arg10[%dma_start3A_32, %dma_start3A_33] : memref<10112x128xf32, #tpu.memory_space<vmem_shared>> -> memref<10112x128xf32, #tpu.memory_space<vmem_shared>>
        tpu.enqueue_indirect_dma source(%arg9 : memref<128x128xf32, #tpu.memory_space<vmem>>) target(%dma_start3A_34 : memref<10112x128xf32, #tpu.memory_space<vmem_shared>>) offsets(%dma_start3A_31 : memref<128xi32, #tpu.memory_space<vmem>>) semaphore(%run_scoped3A : memref<!tpu.dma_semaphore, #tpu.memory_space<semaphore_mem>>) {add = true}
        %dma_wait3A_35 = arith.constant 0 : i32
        %dma_wait3A_36 = tpu.memref_slice %arg8[%add3A_18, %dma_wait3A_35] : memref<80x128xi32, #tpu.memory_space<vmem>> -> memref<1x128xi32, #tpu.memory_space<vmem>>
        %dma_wait3A_37 = tpu.memref_squeeze %dma_wait3A_36 : memref<1x128xi32, #tpu.memory_space<vmem>> -> memref<128xi32, #tpu.memory_space<vmem>>
        %dma_wait3A_38 = arith.constant 0 : i32
        %dma_wait3A_39 = arith.constant 0 : i32
        %dma_wait3A_40 = tpu.memref_slice %arg10[%dma_wait3A_38, %dma_wait3A_39] : memref<10112x128xf32, #tpu.memory_space<vmem_shared>> -> memref<10112x128xf32, #tpu.memory_space<vmem_shared>>
        tpu.wait_indirect_dma semaphore(%run_scoped3A : memref<!tpu.dma_semaphore, #tpu.memory_space<semaphore_mem>>) src(%arg9 : memref<128x128xf32, #tpu.memory_space<vmem>>) dst(%dma_wait3A_40 : memref<10112x128xf32, #tpu.memory_space<vmem_shared>>)
        tpu.yield
      }) : () -> ()
    }
    %scan3A_8 = arith.constant 80 : i32
    %barrier3A_9 = arith.constant 0 : index
    tpu.barrier barrier_id(%barrier3A_9)
    %mul3A_10 = arith.constant 632 : i32
    %mul3A_11 = arith.muli %arg1, %mul3A_10 : i32
    %mul3A_12 = arith.constant 632 : i32
    %mul3A_13 = arith.muli %arg1, %mul3A_12 : i32
    "tpu.region"() ({
      %run_scoped3A = tpu.sem_alloc : memref<!tpu.dma_semaphore, #tpu.memory_space<semaphore_mem>>
      %dma_start3A = arith.constant 0 : i32
      %dma_start3A_14 = tpu.memref_slice %arg6[%arg0, %mul3A_13, %dma_start3A] : memref<2x10112x128xf32, #tpu.memory_space<hbm>> -> memref<1x632x128xf32, #tpu.memory_space<hbm>>
      %dma_start3A_15 = tpu.memref_squeeze %dma_start3A_14 : memref<1x632x128xf32, #tpu.memory_space<hbm>> -> memref<632x128xf32, #tpu.memory_space<hbm>>
      %dma_start3A_16 = arith.constant 0 : i32
      %dma_start3A_17 = tpu.memref_slice %arg10[%mul3A_11, %dma_start3A_16] : memref<10112x128xf32, #tpu.memory_space<vmem_shared>> -> memref<632x128xf32, #tpu.memory_space<vmem_shared>>
      tpu.enqueue_dma source(%dma_start3A_17 : memref<632x128xf32, #tpu.memory_space<vmem_shared>>) target(%dma_start3A_15 : memref<632x128xf32, #tpu.memory_space<hbm>>) target_semaphore(%run_scoped3A : memref<!tpu.dma_semaphore, #tpu.memory_space<semaphore_mem>>)
      %dma_wait3A = arith.constant 0 : i32
      %dma_wait3A_18 = tpu.memref_slice %arg6[%arg0, %mul3A_13, %dma_wait3A] : memref<2x10112x128xf32, #tpu.memory_space<hbm>> -> memref<1x632x128xf32, #tpu.memory_space<hbm>>
      %dma_wait3A_19 = tpu.memref_squeeze %dma_wait3A_18 : memref<1x632x128xf32, #tpu.memory_space<hbm>> -> memref<632x128xf32, #tpu.memory_space<hbm>>
      %dma_wait3A_20 = arith.constant 0 : i32
      %dma_wait3A_21 = tpu.memref_slice %arg10[%mul3A_11, %dma_wait3A_20] : memref<10112x128xf32, #tpu.memory_space<vmem_shared>> -> memref<632x128xf32, #tpu.memory_space<vmem_shared>>
      tpu.wait_dma2 semaphore(%run_scoped3A : memref<!tpu.dma_semaphore, #tpu.memory_space<semaphore_mem>>) src(%dma_wait3A_21 : memref<632x128xf32, #tpu.memory_space<vmem_shared>>) dst(%dma_wait3A_19 : memref<632x128xf32, #tpu.memory_space<hbm>>)
      tpu.yield
    }) : () -> ()
    return
  }
}

module attributes {stable_mosaic.version = 14 : i64} {
  func.func @_pre_body(%arg0: memref<10000x128xf32, #tpu.memory_space<vmem>>, %arg1: memref<128x128xf32, #tpu.memory_space<vmem>>, %arg2: memref<2x10112x16xf32, #tpu.memory_space<vmem>>, %arg3: memref<10000x128xf32, #tpu.memory_space<vmem>>, %arg4: memref<10000x1xf32, #tpu.memory_space<vmem>>) attributes {dimension_semantics = [], scalar_prefetch = 0 : i64, scratch_operands = 0 : i64, tpu.core_type = #tpu.core_type<tc>} {
    %get3A = arith.constant 0 : index
    %get3A_0 = arith.constant 0 : index
    %get3A_1 = arith.constant 0 : index
    %get3A_2 = vector.load %arg2[%get3A, %get3A_0, %get3A_1] : memref<2x10112x16xf32, #tpu.memory_space<vmem>>, vector<1x10000x1xf32>
    %get3A_3 = vector.shape_cast %get3A_2 : vector<1x10000x1xf32> to vector<10000x1xf32>
    %get3A_4 = arith.constant 1 : index
    %get3A_5 = arith.constant 0 : index
    %get3A_6 = arith.constant 0 : index
    %get3A_7 = vector.load %arg2[%get3A_4, %get3A_5, %get3A_6] : memref<2x10112x16xf32, #tpu.memory_space<vmem>>, vector<1x10000x1xf32>
    %get3A_8 = vector.shape_cast %get3A_7 : vector<1x10000x1xf32> to vector<10000x1xf32>
    %add3A = arith.addf %get3A_3, %get3A_8 : vector<10000x1xf32>
    %add3A_9 = arith.constant 1.000000e+00 : f32
    %add3A_10 = vector.broadcast %add3A_9 : f32 to vector<10000x1xf32>
    %add3A_11 = arith.addf %add3A, %add3A_10 : vector<10000x1xf32>
    %rsqrt3A = math.rsqrt %add3A_11 : vector<10000x1xf32>
    %swap3A = arith.constant 0 : index
    %swap3A_12 = arith.constant 0 : index
    %swap3A_13 = vector.load %arg4[%swap3A, %swap3A_12] : memref<10000x1xf32, #tpu.memory_space<vmem>>, vector<10000x1xf32>
    tpu.vector_store %arg4[%swap3A, %swap3A_12], %rsqrt3A {strides = array<i32>} : memref<10000x1xf32, #tpu.memory_space<vmem>>, vector<10000x1xf32>,
    %get3A_14 = arith.constant 0 : index
    %get3A_15 = arith.constant 0 : index
    %get3A_16 = vector.load %arg0[%get3A_14, %get3A_15] : memref<10000x128xf32, #tpu.memory_space<vmem>>, vector<10000x128xf32>
    %get3A_17 = arith.constant 0 : index
    %get3A_18 = arith.constant 0 : index
    %get3A_19 = vector.load %arg1[%get3A_17, %get3A_18] : memref<128x128xf32, #tpu.memory_space<vmem>>, vector<128x128xf32>
    %dot_general3A = arith.constant dense<0.000000e+00> : vector<10000x128xf32>
    %dot_general3A_20 = tpu.matmul %get3A_16, %get3A_19, %dot_general3A {dimension_numbers = #tpu.dot_dimension_numbers<[1], [0], [0], [1], [0, 0, 1, 1], [], []>, transpose_lhs_hint = false} : vector<10000x128xf32>, vector<128x128xf32>, vector<10000x128xf32> -> vector<10000x128xf32>
    %mul3A = vector.broadcast %rsqrt3A : vector<10000x1xf32> to vector<10000x128xf32>
    %mul3A_21 = arith.mulf %dot_general3A_20, %mul3A : vector<10000x128xf32>
    %swap3A_22 = arith.constant 0 : index
    %swap3A_23 = arith.constant 0 : index
    %swap3A_24 = vector.load %arg3[%swap3A_22, %swap3A_23] : memref<10000x128xf32, #tpu.memory_space<vmem>>, vector<10000x128xf32>
    tpu.vector_store %arg3[%swap3A_22, %swap3A_23], %mul3A_21 {strides = array<i32>} : memref<10000x128xf32, #tpu.memory_space<vmem>>, vector<10000x128xf32>,
    return
  }
}

module attributes {stable_mosaic.version = 14 : i64} {
  func.func @_mid_body(%arg0: memref<2x10112x128xf32, #tpu.memory_space<vmem>>, %arg1: memref<10000x128xf32, #tpu.memory_space<vmem>>, %arg2: memref<10000x1xf32, #tpu.memory_space<vmem>>, %arg3: memref<1x128xf32, #tpu.memory_space<vmem>>, %arg4: memref<128x128xf32, #tpu.memory_space<vmem>>, %arg5: memref<10000x128xf32, #tpu.memory_space<vmem>>) attributes {dimension_semantics = [], scalar_prefetch = 0 : i64, scratch_operands = 0 : i64, tpu.core_type = #tpu.core_type<tc>} {
    %get3A = arith.constant 0 : index
    %get3A_0 = arith.constant 0 : index
    %get3A_1 = vector.load %arg2[%get3A, %get3A_0] : memref<10000x1xf32, #tpu.memory_space<vmem>>, vector<10000x1xf32>
    %get3A_2 = arith.constant 0 : index
    %get3A_3 = arith.constant 0 : index
    %get3A_4 = arith.constant 0 : index
    %get3A_5 = vector.load %arg0[%get3A_2, %get3A_3, %get3A_4] : memref<2x10112x128xf32, #tpu.memory_space<vmem>>, vector<1x10000x128xf32>
    %get3A_6 = vector.shape_cast %get3A_5 : vector<1x10000x128xf32> to vector<10000x128xf32>
    %get3A_7 = arith.constant 1 : index
    %get3A_8 = arith.constant 0 : index
    %get3A_9 = arith.constant 0 : index
    %get3A_10 = vector.load %arg0[%get3A_7, %get3A_8, %get3A_9] : memref<2x10112x128xf32, #tpu.memory_space<vmem>>, vector<1x10000x128xf32>
    %get3A_11 = vector.shape_cast %get3A_10 : vector<1x10000x128xf32> to vector<10000x128xf32>
    %add3A = arith.addf %get3A_6, %get3A_11 : vector<10000x128xf32>
    %get3A_12 = arith.constant 0 : index
    %get3A_13 = arith.constant 0 : index
    %get3A_14 = vector.load %arg1[%get3A_12, %get3A_13] : memref<10000x128xf32, #tpu.memory_space<vmem>>, vector<10000x128xf32>
    %add3A_15 = arith.addf %add3A, %get3A_14 : vector<10000x128xf32>
    %mul3A = vector.broadcast %get3A_1 : vector<10000x1xf32> to vector<10000x128xf32>
    %mul3A_16 = arith.mulf %add3A_15, %mul3A : vector<10000x128xf32>
    %get3A_17 = arith.constant 0 : index
    %get3A_18 = arith.constant 0 : index
    %get3A_19 = vector.load %arg3[%get3A_17, %get3A_18] : memref<1x128xf32, #tpu.memory_space<vmem>>, vector<1x128xf32>
    %add3A_20 = vector.broadcast %get3A_19 : vector<1x128xf32> to vector<10000x128xf32>
    %add3A_21 = arith.addf %mul3A_16, %add3A_20 : vector<10000x128xf32>
    %max3A = arith.constant 0.000000e+00 : f32
    %max3A_22 = vector.broadcast %max3A : f32 to vector<10000x128xf32>
    %max3A_23 = arith.maximumf %add3A_21, %max3A_22 : vector<10000x128xf32>
    %get3A_24 = arith.constant 0 : index
    %get3A_25 = arith.constant 0 : index
    %get3A_26 = vector.load %arg4[%get3A_24, %get3A_25] : memref<128x128xf32, #tpu.memory_space<vmem>>, vector<128x128xf32>
    %dot_general3A = arith.constant dense<0.000000e+00> : vector<10000x128xf32>
    %dot_general3A_27 = tpu.matmul %max3A_23, %get3A_26, %dot_general3A {dimension_numbers = #tpu.dot_dimension_numbers<[1], [0], [0], [1], [0, 0, 1, 1], [], []>, transpose_lhs_hint = false} : vector<10000x128xf32>, vector<128x128xf32>, vector<10000x128xf32> -> vector<10000x128xf32>
    %mul3A_28 = vector.broadcast %get3A_1 : vector<10000x1xf32> to vector<10000x128xf32>
    %mul3A_29 = arith.mulf %dot_general3A_27, %mul3A_28 : vector<10000x128xf32>
    %swap3A = arith.constant 0 : index
    %swap3A_30 = arith.constant 0 : index
    %swap3A_31 = vector.load %arg5[%swap3A, %swap3A_30] : memref<10000x128xf32, #tpu.memory_space<vmem>>, vector<10000x128xf32>
    tpu.vector_store %arg5[%swap3A, %swap3A_30], %mul3A_29 {strides = array<i32>} : memref<10000x128xf32, #tpu.memory_space<vmem>>, vector<10000x128xf32>,
    return
  }
}

module attributes {stable_mosaic.version = 14 : i64} {
  func.func @_fin_body(%arg0: memref<2x10112x128xf32, #tpu.memory_space<vmem>>, %arg1: memref<10000x128xf32, #tpu.memory_space<vmem>>, %arg2: memref<10000x1xf32, #tpu.memory_space<vmem>>, %arg3: memref<1x128xf32, #tpu.memory_space<vmem>>, %arg4: memref<1x10000xi32, #tpu.memory_space<vmem>>, %arg5: memref<128x128xf32, #tpu.memory_space<vmem>>, %arg6: memref<1x128xf32, #tpu.memory_space<vmem>>, %arg7: memref<64x128xf32, #tpu.memory_space<vmem>>) attributes {dimension_semantics = [], scalar_prefetch = 0 : i64, scratch_operands = 0 : i64, tpu.core_type = #tpu.core_type<tc>} {
    %get3A = arith.constant 0 : index
    %get3A_0 = arith.constant 0 : index
    %get3A_1 = arith.constant 0 : index
    %get3A_2 = vector.load %arg0[%get3A, %get3A_0, %get3A_1] : memref<2x10112x128xf32, #tpu.memory_space<vmem>>, vector<1x10000x128xf32>
    %get3A_3 = vector.shape_cast %get3A_2 : vector<1x10000x128xf32> to vector<10000x128xf32>
    %get3A_4 = arith.constant 1 : index
    %get3A_5 = arith.constant 0 : index
    %get3A_6 = arith.constant 0 : index
    %get3A_7 = vector.load %arg0[%get3A_4, %get3A_5, %get3A_6] : memref<2x10112x128xf32, #tpu.memory_space<vmem>>, vector<1x10000x128xf32>
    %get3A_8 = vector.shape_cast %get3A_7 : vector<1x10000x128xf32> to vector<10000x128xf32>
    %add3A = arith.addf %get3A_3, %get3A_8 : vector<10000x128xf32>
    %get3A_9 = arith.constant 0 : index
    %get3A_10 = arith.constant 0 : index
    %get3A_11 = vector.load %arg1[%get3A_9, %get3A_10] : memref<10000x128xf32, #tpu.memory_space<vmem>>, vector<10000x128xf32>
    %add3A_12 = arith.addf %add3A, %get3A_11 : vector<10000x128xf32>
    %get3A_13 = arith.constant 0 : index
    %get3A_14 = arith.constant 0 : index
    %get3A_15 = vector.load %arg2[%get3A_13, %get3A_14] : memref<10000x1xf32, #tpu.memory_space<vmem>>, vector<10000x1xf32>
    %mul3A = vector.broadcast %get3A_15 : vector<10000x1xf32> to vector<10000x128xf32>
    %mul3A_16 = arith.mulf %add3A_12, %mul3A : vector<10000x128xf32>
    %get3A_17 = arith.constant 0 : index
    %get3A_18 = arith.constant 0 : index
    %get3A_19 = vector.load %arg3[%get3A_17, %get3A_18] : memref<1x128xf32, #tpu.memory_space<vmem>>, vector<1x128xf32>
    %add3A_20 = vector.broadcast %get3A_19 : vector<1x128xf32> to vector<10000x128xf32>
    %add3A_21 = arith.addf %mul3A_16, %add3A_20 : vector<10000x128xf32>
    %iota3A = tpu.iota {dimensions = array<i32: 0>} : vector<64x10000xi32>
    %get3A_22 = arith.constant 0 : index
    %get3A_23 = arith.constant 0 : index
    %get3A_24 = vector.load %arg4[%get3A_22, %get3A_23] : memref<1x10000xi32, #tpu.memory_space<vmem>>, vector<1x10000xi32>
    %eq3A = vector.broadcast %get3A_24 : vector<1x10000xi32> to vector<64x10000xi32>
    %eq3A_25 = arith.cmpi eq, %eq3A, %iota3A : vector<64x10000xi32>
    %convert_element_type3A = arith.extui %eq3A_25 : vector<64x10000xi1> to vector<64x10000xi32>
    %convert_element_type3A_26 = arith.sitofp %convert_element_type3A : vector<64x10000xi32> to vector<64x10000xf32>
    %dot_general3A = arith.constant dense<0.000000e+00> : vector<64x128xf32>
    %dot_general3A_27 = tpu.matmul %convert_element_type3A_26, %add3A_21, %dot_general3A {dimension_numbers = #tpu.dot_dimension_numbers<[1], [0], [0], [1], [0, 0, 1, 1], [], []>, transpose_lhs_hint = false} : vector<64x10000xf32>, vector<10000x128xf32>, vector<64x128xf32> -> vector<64x128xf32>
    %reduce_sum3A = arith.constant dense<0.000000e+00> : vector<64xf32>
    %reduce_sum3A_28 = vector.multi_reduction <add>, %convert_element_type3A_26, %reduce_sum3A [1] : vector<64x10000xf32> to vector<64xf32>
    %broadcast_in_dim3A = vector.shape_cast %reduce_sum3A_28 : vector<64xf32> to vector<64x1xf32>
    %max3A = arith.constant 1.000000e+00 : f32
    %max3A_29 = vector.broadcast %max3A : f32 to vector<64x1xf32>
    %max3A_30 = arith.maximumf %broadcast_in_dim3A, %max3A_29 : vector<64x1xf32>
    %div3A = vector.broadcast %max3A_30 : vector<64x1xf32> to vector<64x128xf32>
    %div3A_31 = arith.divf %dot_general3A_27, %div3A : vector<64x128xf32>
    %get3A_32 = arith.constant 0 : index
    %get3A_33 = arith.constant 0 : index
    %get3A_34 = vector.load %arg5[%get3A_32, %get3A_33] : memref<128x128xf32, #tpu.memory_space<vmem>>, vector<128x128xf32>
    %dot_general3A_35 = arith.constant dense<0.000000e+00> : vector<64x128xf32>
    %dot_general3A_36 = tpu.matmul %div3A_31, %get3A_34, %dot_general3A_35 {dimension_numbers = #tpu.dot_dimension_numbers<[1], [0], [0], [1], [0, 0, 1, 1], [], []>, transpose_lhs_hint = false} : vector<64x128xf32>, vector<128x128xf32>, vector<64x128xf32> -> vector<64x128xf32>
    %get3A_37 = arith.constant 0 : index
    %get3A_38 = arith.constant 0 : index
    %get3A_39 = vector.load %arg6[%get3A_37, %get3A_38] : memref<1x128xf32, #tpu.memory_space<vmem>>, vector<1x128xf32>
    %add3A_40 = vector.broadcast %get3A_39 : vector<1x128xf32> to vector<64x128xf32>
    %add3A_41 = arith.addf %dot_general3A_36, %add3A_40 : vector<64x128xf32>
    %swap3A = arith.constant 0 : index
    %swap3A_42 = arith.constant 0 : index
    %swap3A_43 = vector.load %arg7[%swap3A, %swap3A_42] : memref<64x128xf32, #tpu.memory_space<vmem>>, vector<64x128xf32>
    tpu.vector_store %arg7[%swap3A, %swap3A_42], %add3A_41 {strides = array<i32>} : memref<64x128xf32, #tpu.memory_space<vmem>>, vector<64x128xf32>,
    return
  }
}

</mosaic_0001>

<sc_bundles>
// kernel: kernel.10.cloned.1.call-start
scs
__scs_entry_jumppad:
0x0: {  	(pc) =	sbr.rel $0x88, $3  }
0x1: {  	(tag) =	ssettag $0x0;
	lr =	simm.s32 $0x1  }
0x2: {  	[smem:$0x3F96] =	sst lr;
	_ =	strace $0xD0000000  }
0x3: {  	_ = 	snop  }
0x4: {  	_ = 	snop  }
0x5: {  	_ = 	snop  }
0x6: {  	_ = 	snop  }
0x7: {  	_ = 	snop  }
__scs_overlays_trampoline_lowered:
0x8: {  	[smem:$0x3FA5] =	sst s0  }
0x9: {  	[smem:$0x3FA6] =	sst s1  }
0xa: {  	[smem:$0x3FA7] =	sst s2  }
0xb: {  	[smem:$0x3FA8] =	sst s3  }
0xc: {  	[smem:$0x3FA9] =	sst s4  }
0xd: {  	[smem:$0x3FAA] =	sst s5  }
0xe: {  	[smem:$0x3FAB] =	sst s6  }
0xf: {  	[smem:$0x3FAC] =	sst s7  }
0x10: {  	[smem:$0x3FAD] =	sst s8  }
0x11: {  	[smem:$0x3FAE] =	sst s9;
	s0 =	simm.s32 @!p0 $0x0  }
0x12: {  	s1 =	sld [smem:$0x3F94];
	s0 =	simm.s32 @p0 $0x1  }
0x13: {  	[smem:$0x3FAF] =	sst s0;
	s0 =	simm.s32 @!p1 $0x0  }
0x14: {  	s2 =	sld [smem:$0x3F93];
	s0 =	simm.s32 @p1 $0x1  }
0x15: {  	[smem:$0x3FB0] =	sst s0;
	s0 =	simm.s32 @!p2 $0x0  }
0x16: {  	s3 =	sld [smem:$0x3FDB];
	s0 =	simm.s32 @p2 $0x1  }
0x17: {  	s4 =	simm.s32 $0x1BF5;
	[smem:$0x3FB2] =	sst s0  }
0x18: {  	s0 =	sld [smem:$0x3F95];
	_ =	swait.ge [sflag:s4], $0x0  }
0x19: {  	s7 =	sld [smem:$0x3F96]  }
0x1a: {  	s8 =	sadd.s32 $0xFFFFE003, lr  }
0x1b: {  	s9 =	sadd.s32 $0xFFFFFEF7, lr;
	s5 =	simm.s32 $0xFFFFFFFF;
	p2 =	slt.u32 s8, $0xFFFFF086  }
0x1c: {  	p1 =	slt.u32 s9, $0xF7A;
	s5 =	simm.s32 @!p2 $0x0  }
0x1d: {  	s5 =	simm.s32 @p1 $0x1;
	p0 =	seq.s32 s7, s2  }
0x1e: {  	s7 =	smul.u32 @!p0 $0xF7A, s2;
	p2 =	seq.s32 @!p0 s5, $0x0  }
0x1f: {  	s9 =	smul.u32 $0xF7A, s1;
	s8 =	simm.s32 @!p0 $0x1BF5;
	p2 =	por !p2, p0  }
0x20: {  	[sflag:s8] =	ssyncset.s32 @!p0 $0xFFFFF086;
	s6 =	sadd.s32 @!p0 s3, s7;
	s7 =	simm.s32 @!p0 $0x108  }
0x21: {  	s3 =	sadd.s32 s3, s9;
	s6 =	sadd.s32 @!p0 $0x88, s6;
	s7 =	simm.s32 @p2 $0x1082  }
0x22: {  	[simem:s7], [sflag:s8] =	dma.local @!p0 [hbm:s6], $0xF7A  }
0x23: {  	s9 =	sor.u32 $0xD0000000, s2;
	s6 =	simm.s32 $0x108;
	_ =	swait.ge @!p0 [sflag:s8], $0x0  }
0x24: {  	s3 =	sadd.s32 $0x88, s3;
	s6 =	simm.s32 @!p1 $0x1082;
	[sflag:s4] =	ssyncset.s32 $0xFFFFF086  }
0x25: {  	[simem:s6], [sflag:s4] =	dma.local [hbm:s3], $0xF7A  }
0x26: {  	[smem:$0x3F96] =	sst s1;
	(tag) =	ssettag s2;
	_ =	strace s9  }
0x27: {  	s1 =	sld [smem:$0x3FA6]  }
0x28: {  	s2 =	sld [smem:$0x3FA7]  }
0x29: {  	s4 =	sld [smem:$0x3FA9]  }
0x2a: {  	p0 =	seq.s32 s5, $0x0;
	s5 =	sld [smem:$0x3FAA]  }
0x2b: {  	s6 =	sld [smem:$0x3FAB]  }
0x2c: {  	s7 =	sld [smem:$0x3FAC]  }
0x2d: {  	s3 =	simm.s32 $0x108;
	s8 =	sld [smem:$0x3FAD]  }
0x2e: {  	s3 =	simm.s32 @!p0 $0x1082;
	s9 =	sld [smem:$0x3FAE]  }
0x2f: {  	lr =	sadd.s32 s0, s3;
	s0 =	sld [smem:$0x3FA5]  }
0x30: {  	s3 =	sld [smem:$0x3FA8]  }
0x31: {  	[smem:$0x3FB1] =	sst s10  }
0x32: {  	s10 =	sld [smem:$0x3FAF];
	_ =	sdelay $0x3  }
0x33: {  	p0 =	seq.s32 s10, $0x1;
	s10 =	sld [smem:$0x3FB1];
	_ =	sdelay $0x3  }
0x34: {  	[smem:$0x3FB1] =	sst s10  }
0x35: {  	s10 =	sld [smem:$0x3FB0];
	_ =	sdelay $0x3  }
0x36: {  	p1 =	seq.s32 s10, $0x1;
	s10 =	sld [smem:$0x3FB1];
	_ =	sdelay $0x3  }
0x37: {  	[smem:$0x3FB1] =	sst s10  }
0x38: {  	s10 =	sld [smem:$0x3FB2]  }
0x39: {  	_ = 	snop;
	(pc) =	sbr.ind lr, $3  }
0x3a: {  	_ = 	snop  }
0x3b: {  	_ = 	snop  }
0x3c: {  	p2 =	seq.s32 s10, $0x1;
	s10 =	sld [smem:$0x3FB1]  }
0x3d: {  	_ =	shalt  }
0x3e: {  	_ =	shalt  }
0x3f: {  	_ =	shalt  }
0x40: {  	_ =	shalt  }
0x41: {  	_ =	shalt  }
0x42: {  	_ =	shalt  }
0x43: {  	_ =	shalt  }
0x44: {  	_ =	shalt  }
0x45: {  	_ =	shalt  }
0x46: {  	_ =	shalt  }
0x47: {  	_ =	shalt  }
0x48: {  	_ =	shalt  }
0x49: {  	_ =	shalt  }
0x4a: {  	_ =	shalt  }
0x4b: {  	_ =	shalt  }
0x4c: {  	_ =	shalt  }
0x4d: {  	_ =	shalt  }
0x4e: {  	_ =	shalt  }
0x4f: {  	_ =	shalt  }
0x50: {  	_ =	shalt  }
0x51: {  	_ =	shalt  }
0x52: {  	_ =	shalt  }
0x53: {  	_ =	shalt  }
0x54: {  	_ =	shalt  }
0x55: {  	_ =	shalt  }
0x56: {  	_ =	shalt  }
0x57: {  	_ =	shalt  }
0x58: {  	_ =	shalt  }
0x59: {  	_ =	shalt  }
0x5a: {  	_ =	shalt  }
0x5b: {  	_ =	shalt  }
0x5c: {  	_ =	shalt  }
0x5d: {  	_ =	shalt  }
0x5e: {  	_ =	shalt  }
0x5f: {  	_ =	shalt  }
0x60: {  	_ =	shalt  }
0x61: {  	_ =	shalt  }
0x62: {  	_ =	shalt  }
0x63: {  	_ =	shalt  }
0x64: {  	_ =	shalt  }
0x65: {  	_ =	shalt  }
0x66: {  	_ =	shalt  }
0x67: {  	_ =	shalt  }
0x68: {  	_ =	shalt  }
0x69: {  	_ =	shalt  }
0x6a: {  	_ =	shalt  }
0x6b: {  	_ =	shalt  }
0x6c: {  	_ =	shalt  }
0x6d: {  	_ =	shalt  }
0x6e: {  	_ =	shalt  }
0x6f: {  	_ =	shalt  }
0x70: {  	_ =	shalt  }
0x71: {  	_ =	shalt  }
0x72: {  	_ =	shalt  }
0x73: {  	_ =	shalt  }
0x74: {  	_ =	shalt  }
0x75: {  	_ =	shalt  }
0x76: {  	_ =	shalt  }
0x77: {  	_ =	shalt  }
0x78: {  	_ =	shalt  }
0x79: {  	_ =	shalt  }
0x7a: {  	_ =	shalt  }
0x7b: {  	_ =	shalt  }
0x7c: {  	_ =	shalt  }
0x7d: {  	_ =	shalt  }
0x7e: {  	_ =	shalt  }
0x7f: {  	_ =	shalt  }
0x80: {  	_ =	shalt  }
0x81: {  	_ =	shalt  }
0x82: {  	_ =	shalt  }
0x83: {  	_ =	shalt  }
0x84: {  	_ =	shalt  }
0x85: {  	_ =	shalt  }
0x86: {  	_ =	shalt  }
0x87: {  	_ =	shalt  }
.Lfunc_end0:
.L_simem_size_0:
called_computation_lowered:
.L_overlay_start_0:
0x88: {  	s2 =	sld [smem:$0x3FD9]  }
0x89: {  	s3 =	sld [smem:$0x3FFE];
	_ =	sdelay $0x1  }
0x8a: {  	s1 =	srdreg.scid  }
0x8b: {  	s0 =	sand.u32 $0x1, s1  }
0x8c: {  	s16 =	sshll.u32 s0, $0xA;
	s2 =	sadd.s32 s3, s2  }
0x8d: {  	s2 =	sadd.s32 s2, s16  }
0x8e: {  	[smem:$0x3FBD] =	sst s2  }
0x8f: {  	_ = 	snop  }
0x90: {  	(tm) =	ssettm $0x1  }
0x91: {  	s17 =	sld [smem:$0x3FFB];
	_ =	sdelay $0x3  }
0x92: {  	_ =	strace s17  }
0x93: {  	s2 =	sld [smem:$0x3FFC];
	_ =	sdelay $0x3  }
0x94: {  	_ =	strace s2  }
0x95: {  	s2 =	sld [smem:$0x3FFD];
	_ =	sdelay $0x3  }
0x96: {  	_ =	strace s2  }
0x97: {  	_ =	strace $0x8FFFFFFF  }
0x98: {  	s18 =	sld [smem:$0x3FDB];
	_ =	sdelay $0x1  }
0x99: {  	s19 =	simm.s32 $_scs_section_size  }
0x9a: {  	s4 =	simm.s32 $_size__tile_overlayer_lowered;
	s5 =	simm.s32 $_tile_overlayer_lowered  }
0x9b: {  	s22 =	simm.s32 $0x1BFF;
	s21 =	sshll.u32 s5, $0x1;
	s2 =	sadd.s32 s19, s18  }
0x9c: {  	s6 =	simm.s32 $0x0;
	s20 =	sshll.u32 s4, $0x1;
	s4 =	sadd.s32 s21, s2  }
0x9d: {  	[timem:s6], [sflag:s22] =	dma.local [hbm:s4], s20  }
0x9e: {  	_ =	swait.ge [sflag:s22], s20  }
0x9f: {  	s3 =	ssub.s32 $0x0, s20;
	[sflag:s22] =	ssyncset.done $0x0  }
0xa0: {  	[sflag:s22] =	ssyncadd.s32 s3;
	_ =	sdelay $0x1  }
0xa1: {  	s23 =	simm.s32 $0x1B8B  }
0xa2: {  	_ =	swait.ge [sflag:s23], $0x1  }
0xa3: {  	[sflag:s23] =	ssyncset.done $0x0  }
0xa4: {  	s25 =	simm.s32 $0x1B8E;
	s24 =	sld [smem:$0x3FFE];
	[sflag:s23] =	ssyncadd.s32 $0xFFFFFFFF  }
0xa5: {  	s26 =	simm.s32 $execute0_lowered;
	[smem:$0x3FD2] =	sst s25  }
0xa6: {  	s4 =	sshll.u32 s26, $0x1;
	_ =	strace $0x80000046;
	[dreg:$0x1] =	wrdreg $0xFFFFFFFF  }
0xa7: {  	s28 =	simm.s32 $_size_execute0_lowered;
	s2 =	sadd.s32 s2, s4;
	[dreg:$0x0] =	wrdreg $0x0  }
0xa8: {  	s4 =	sshll.u32 s28, $0x1;
	[dreg:$0x2] =	wrdreg s2  }
0xa9: {  	[dreg:$0x3] =	wrdreg s4  }
0xaa: {  	[dreg:$0x4] =	wrdreg $0xC0  }
0xab: {  	_ =	task [dreg:s6], $0x5FFFF  }
0xac: {  	[dreg:$0x1] =	wrdreg $0xFFFFFFFF  }
0xad: {  	[dreg:$0x0] =	wrdreg $0x60  }
0xae: {  	[dreg:$0x2] =	wrdreg s24  }
0xaf: {  	[dreg:$0x3] =	wrdreg $0x68000  }
0xb0: {  	[dreg:$0x4] =	wrdreg $0x9  }
0xb1: {  	_ =	task.clear_ibuf [dreg:s6], $0x5FFFF;
	_ =	strace $0x90000046  }
0xb2: {  	s29 =	simm.s32 $0x9;
	_ =	strace $0x80000048  }
0xb3: {  	_ =	swait.ge [sflag:s29], $0x1  }
0xb4: {  	[sflag:s29] =	ssyncadd.s32 $0xFFFFFFFF  }
0xb5: {  	_ =	strace $0x90000048  }
0xb6: {  	_ =	sfence  }
0xb7: {  	s30 =	sld [smem:$0x0];
	_ =	sdelay $0x2  }
0xb8: {  	s31 =	sshll.u32 s1, $0xD;
	s1 =	sshrl.u32 s1, $0x2  }
0xb9: {  	s3 =	sand.u32 $0x4000, s31;
	s1 =	sadd.s32 s1, s30  }
0xba: {  	s0 =	sor.u32 s3, s0;
	s1 =	sshll.u32 s1, $0x11  }
0xbb: {  	s0 =	sor.u32 s1, s0  }
0xbc: {  	s0 =	sadd.s32 $0x8F2B, s0  }
0xbd: {  	[sflag:s0] =	ssyncadd.remote.s32 $0x1  }
0xbe: {  	_ =	sfence.sel $0xFFFF  }
0xbf: {  	[dreg:$0x0] =	wrdreg $0xFFFFFFFF;
	(pc) =	sbr.abs _section_cstart, $3  }
0xc0: {  	[dreg:$0x1] =	wrdreg $0xFFFFFFFF  }
0xc1: {  	_ =	task.clear_ibuf [dreg:s6], $0x2FFFF;
	_ =	strace $0x9FFFFFFF  }
0xc2: {  	(tm) =	ssettm $0x7FFFFFFF  }
0xc3: {  	_ =	shalt  }
tec
execute0_lowered:
.L_overlay_start_1:
0x0: {  	(tag) =	ssettag $0x1  }
0x1: {  	s1 =	srdreg.scid  }
0x2: {  	s0 =	stileid.u32;
	s5 =	rddreg [dreg:$0x0]  }
0x3: {  	s2 =	rddreg [dreg:$0x1];
	s3 =	simm.s32 $0x0;
	s12 =	simm.s32 $0x2800  }
0x4: {  	s4 =	sand.u32 $0x1, s1;
	s28 =	sshll.u32 s0, $0x1;
	s7 =	smul.u32 $0x13C00, s0  }
0x5: {  	[smem:$0x7FF] =	sst s3;
	s29 =	smul.u32 $0x4F000, s0;
	s31 =	sshll.u32 s0, $0x6  }
0x6: {  	s1 =	sor.u32 s4, s28;
	s8 =	smul.u32 $0x13C000, s4;
	s4 =	ssub.s32 $0x2, s4  }
0x7: {  	s6 =	smul.u32 $0x500, s1;
	s1 =	rddreg [dreg:$0x2];
	_ =	strace $0x80000047  }
0x8: {  	s9 =	sshrl.u32 s7, $0x3;
	s30 =	sshrl.u32 s4, $0x1;
	s7 =	sadd.s32 s7, s8  }
0x9: {  	s9 =	sadd.s32 s9, s5;
	s8 =	sshrl.u32 s29, $0x2;
	s10 =	ssub.s32 s4, s30  }
0xa: {  	s6 =	sadd.s32 s6, s5;
	s7 =	sshrl.u32 s7, $0x3;
	s11 =	sadd.s32 s8, s2  }
0xb: {  	s4 =	sadd.s32 $0xD200, s9;
	s8 =	smax.u32 s10, $0x1;
	s10 =	simm.s32 $0x1  }
0xc: {  	s7 =	sadd.s32 s7, s5;
	s5 =	sor.u32 $0x1C01, s31;
	s6 =	sadd.s32 $0x3200, s6  }
0xd: {  	v0 =	vimm.f32 $1.000000000e+00;
	s9 =	sshrl.u32 s11, $0x3;
	s11 =	simm.s32 $0x80;
	s7 =	sadd.s32 $0x34A00, s7  }
.LBB2_1:
0xe: {  	s13 =	simm.s32 $0x200;
	s14 =	simm.s32 $0x0  }
.LBB2_2:
0xf: {  	p0 =	sne.s32 s13, $0xFE00;
	[tilespmem:s14+$0x2800] =	vst v0;
	s14 =	smov.u32 s13;
	s13 =	sadd.s32 $0x200, s13  }
.Ltmp0:
0x10: {  	(pc) =	sbr.rel @p0 .LBB2_2-.Ltmp0, $2  }
0x11: {  	_ =	sdelay $0x2  }
0x12: {  	s14 =	sshra.s32 s14, $0x2  }
0x13: {  	[tilespmem:s14+$0x2800] =	vst v0  }
0x14: {  	[spmem:s9], [sflag:s5] =	dma.local [hbm:s4], $0x2780  }
0x15: {  	_ =	swait.ge [sflag:s10], $0x2780  }
0x16: {  	[sflag:s10] =	ssyncset.done $0x0  }
0x17: {  	s13 =	simm.s32 $0x0;
	[sflag:s10] =	ssyncadd.s32 $0xFFFFD880  }
0x18: {  	[tilespmem:s13], [sflag:$0x1] =	stream.linear.gather [hbm4b:s6+s13], $0x2800, $0x38;
	[tilespmem:$0x8F80] =	vst v63  }
0x19: {  	_ =	swait.ge [sflag:s10], $0x2800  }
0x1a: {  	[sflag:s10] =	ssyncset.done $0x0  }
0x1b: {  	[sflag:s10] =	ssyncadd.s32 $0xFFFFD800  }
0x1c: {  	s31 =	simm.s32 $0x0;
	[bflag:$0x0] =	sbarrier.arrive $0xFFFF  }
0x1d: {  	[spmem:s2] =	stream.indirect.scatter.add.f32 [tilespmem:s12], [sflag:$0x1], $0x10, s31, s11, $0xb8;
	[tilespmem:$0x8F80] =	vst v63  }
0x1e: {  	_ =	swait.ge [sflag:s10], $0x800  }
0x1f: {  	s13 =	simm.s32 $0x200;
	[sflag:s10] =	ssyncset.done $0x0  }
.LBB2_4:
0x20: {  	s14 =	sshra.s32 s13, $0x2;
	[sflag:s10] =	ssyncadd.s32 $0xFFFFF800;
	p0 =	sne.s32 s13, $0x9E00  }
0x21: {  	[spmem:s2] =	stream.indirect.scatter.add.f32 [tilespmem:s12], [sflag:$0x1], $0x10, s14, s11, $0xb8;
	[tilespmem:$0x8F80] =	vst v63  }
.Ltmp1:
0x22: {  	_ = 	snop;
	(pc) =	sbr.rel @p0 .LBB2_4-.Ltmp1, $4  }
0x23: {  	_ = 	snop  }
0x24: {  	s13 =	sadd.s32 $0x200, s13  }
0x25: {  	_ =	swait.ge [sflag:s10], $0x800  }
0x26: {  	[sflag:s10] =	ssyncset.done $0x0  }
0x27: {  	s3 =	sadd.s32 $0x1, s3  }
0x28: {  	[sflag:s10] =	ssyncadd.s32 $0xFFFFF800;
	p0 =	sne.s32 s3, s8  }
.Ltmp2:
0x29: {  	[bflag:$0x0] =	sbarrier.arrive $0xFFFF;
	(pc) =	sbr.rel @p0 .LBB2_1-.Ltmp2, $4  }
0x2a: {  	[hbm:s7], [sflag:s5] =	dma.local [spmem:s9], $0x2780  }
0x2b: {  	_ =	swait.ge [sflag:s10], $0x2780  }
0x2c: {  	[sflag:s10] =	ssyncset.done $0x0  }
0x2d: {  	[sflag:s10] =	ssyncadd.s32 $0xFFFFD880  }
0x2e: {  	_ =	sfence.sel $0x180000  }
0x2f: {  	[bflag:$0x0] =	sbarrier.arrive $0xFFFF  }
0x30: {  	p0 =	sne.s32 s0, $0x0;
	_ =	strace $0x90000047  }
0x31: {  	s0 =	sadd.s32 @!p0 $0x100000, s1;
	[bflag:$0x2] =	sbarrier.arrive $0xFFFF  }
0x32: {  	[sflag:s0] =	ssyncadd.tile.s32 @!p0 $0x1;
	_ =	shalt  }
.Lfunc_end2:
_tile_overlayer_lowered:
.L_overlay_start_2:
0x33: {  	(tag) =	ssettag $0x2  }
0x34: {  	s0 =	rddreg [dreg:$0x0];
	s2 =	stileid.u32  }
0x35: {  	s1 =	rddreg [dreg:$0x1];
	p0 =	sne.s32 s2, $0x0  }
0x36: {  	s3 =	rddreg [dreg:$0x2];
	[bflag:$0x3] =	sbarrier.arrive $0xFFFF;
	s2 =	simm.s32 @!p0 $0x1C01  }
0x37: {  	[timem:s3], [sflag:s2] =	dma.local @!p0 [hbm:s0], s1  }
0x38: {  	s0 =	simm.s32 @!p0 $0x1  }
0x39: {  	_ =	swait.ge @!p0 [sflag:s0], s1  }
0x3a: {  	s1 =	ssub.s32 @!p0 $0x0, s1;
	[sflag:s0] =	ssyncset.done @!p0 $0x0  }
0x3b: {  	[sflag:s0] =	ssyncadd.s32 @!p0 s1  }
0x3c: {  	[bflag:$0x3] =	sbarrier.arrive $0xFFFF  }
0x3d: {  	_ =	shalt  }

// kernel: kernel.13.cloned.1.call-start
scs
__scs_entry_jumppad:
0x0: {  	(pc) =	sbr.rel $0x88, $3  }
0x1: {  	(tag) =	ssettag $0x0;
	lr =	simm.s32 $0x1  }
0x2: {  	[smem:$0x3F96] =	sst lr;
	_ =	strace $0xD0000000  }
0x3: {  	_ = 	snop  }
0x4: {  	_ = 	snop  }
0x5: {  	_ = 	snop  }
0x6: {  	_ = 	snop  }
0x7: {  	_ = 	snop  }
__scs_overlays_trampoline_lowered:
0x8: {  	[smem:$0x3FA5] =	sst s0  }
0x9: {  	[smem:$0x3FA6] =	sst s1  }
0xa: {  	[smem:$0x3FA7] =	sst s2  }
0xb: {  	[smem:$0x3FA8] =	sst s3  }
0xc: {  	[smem:$0x3FA9] =	sst s4  }
0xd: {  	[smem:$0x3FAA] =	sst s5  }
0xe: {  	[smem:$0x3FAB] =	sst s6  }
0xf: {  	[smem:$0x3FAC] =	sst s7  }
0x10: {  	[smem:$0x3FAD] =	sst s8  }
0x11: {  	[smem:$0x3FAE] =	sst s9;
	s0 =	simm.s32 @!p0 $0x0  }
0x12: {  	s1 =	sld [smem:$0x3F94];
	s0 =	simm.s32 @p0 $0x1  }
0x13: {  	[smem:$0x3FAF] =	sst s0;
	s0 =	simm.s32 @!p1 $0x0  }
0x14: {  	s2 =	sld [smem:$0x3F93];
	s0 =	simm.s32 @p1 $0x1  }
0x15: {  	[smem:$0x3FB0] =	sst s0;
	s0 =	simm.s32 @!p2 $0x0  }
0x16: {  	s3 =	sld [smem:$0x3FDB];
	s0 =	simm.s32 @p2 $0x1  }
0x17: {  	s4 =	simm.s32 $0x1BF5;
	[smem:$0x3FB2] =	sst s0  }
0x18: {  	s0 =	sld [smem:$0x3F95];
	_ =	swait.ge [sflag:s4], $0x0  }
0x19: {  	s7 =	sld [smem:$0x3F96]  }
0x1a: {  	s8 =	sadd.s32 $0xFFFFE003, lr  }
0x1b: {  	s9 =	sadd.s32 $0xFFFFFEF7, lr;
	s5 =	simm.s32 $0xFFFFFFFF;
	p2 =	slt.u32 s8, $0xFFFFF086  }
0x1c: {  	p1 =	slt.u32 s9, $0xF7A;
	s5 =	simm.s32 @!p2 $0x0  }
0x1d: {  	s5 =	simm.s32 @p1 $0x1;
	p0 =	seq.s32 s7, s2  }
0x1e: {  	s7 =	smul.u32 @!p0 $0xF7A, s2;
	p2 =	seq.s32 @!p0 s5, $0x0  }
0x1f: {  	s9 =	smul.u32 $0xF7A, s1;
	s8 =	simm.s32 @!p0 $0x1BF5;
	p2 =	por !p2, p0  }
0x20: {  	[sflag:s8] =	ssyncset.s32 @!p0 $0xFFFFF086;
	s6 =	sadd.s32 @!p0 s3, s7;
	s7 =	simm.s32 @!p0 $0x108  }
0x21: {  	s3 =	sadd.s32 s3, s9;
	s6 =	sadd.s32 @!p0 $0x88, s6;
	s7 =	simm.s32 @p2 $0x1082  }
0x22: {  	[simem:s7], [sflag:s8] =	dma.local @!p0 [hbm:s6], $0xF7A  }
0x23: {  	s9 =	sor.u32 $0xD0000000, s2;
	s6 =	simm.s32 $0x108;
	_ =	swait.ge @!p0 [sflag:s8], $0x0  }
0x24: {  	s3 =	sadd.s32 $0x88, s3;
	s6 =	simm.s32 @!p1 $0x1082;
	[sflag:s4] =	ssyncset.s32 $0xFFFFF086  }
0x25: {  	[simem:s6], [sflag:s4] =	dma.local [hbm:s3], $0xF7A  }
0x26: {  	[smem:$0x3F96] =	sst s1;
	(tag) =	ssettag s2;
	_ =	strace s9  }
0x27: {  	s1 =	sld [smem:$0x3FA6]  }
0x28: {  	s2 =	sld [smem:$0x3FA7]  }
0x29: {  	s4 =	sld [smem:$0x3FA9]  }
0x2a: {  	p0 =	seq.s32 s5, $0x0;
	s5 =	sld [smem:$0x3FAA]  }
0x2b: {  	s6 =	sld [smem:$0x3FAB]  }
0x2c: {  	s7 =	sld [smem:$0x3FAC]  }
0x2d: {  	s3 =	simm.s32 $0x108;
	s8 =	sld [smem:$0x3FAD]  }
0x2e: {  	s3 =	simm.s32 @!p0 $0x1082;
	s9 =	sld [smem:$0x3FAE]  }
0x2f: {  	lr =	sadd.s32 s0, s3;
	s0 =	sld [smem:$0x3FA5]  }
0x30: {  	s3 =	sld [smem:$0x3FA8]  }
0x31: {  	[smem:$0x3FB1] =	sst s10  }
0x32: {  	s10 =	sld [smem:$0x3FAF];
	_ =	sdelay $0x3  }
0x33: {  	p0 =	seq.s32 s10, $0x1;
	s10 =	sld [smem:$0x3FB1];
	_ =	sdelay $0x3  }
0x34: {  	[smem:$0x3FB1] =	sst s10  }
0x35: {  	s10 =	sld [smem:$0x3FB0];
	_ =	sdelay $0x3  }
0x36: {  	p1 =	seq.s32 s10, $0x1;
	s10 =	sld [smem:$0x3FB1];
	_ =	sdelay $0x3  }
0x37: {  	[smem:$0x3FB1] =	sst s10  }
0x38: {  	s10 =	sld [smem:$0x3FB2]  }
0x39: {  	_ = 	snop;
	(pc) =	sbr.ind lr, $3  }
0x3a: {  	_ = 	snop  }
0x3b: {  	_ = 	snop  }
0x3c: {  	p2 =	seq.s32 s10, $0x1;
	s10 =	sld [smem:$0x3FB1]  }
0x3d: {  	_ =	shalt  }
0x3e: {  	_ =	shalt  }
0x3f: {  	_ =	shalt  }
0x40: {  	_ =	shalt  }
0x41: {  	_ =	shalt  }
0x42: {  	_ =	shalt  }
0x43: {  	_ =	shalt  }
0x44: {  	_ =	shalt  }
0x45: {  	_ =	shalt  }
0x46: {  	_ =	shalt  }
0x47: {  	_ =	shalt  }
0x48: {  	_ =	shalt  }
0x49: {  	_ =	shalt  }
0x4a: {  	_ =	shalt  }
0x4b: {  	_ =	shalt  }
0x4c: {  	_ =	shalt  }
0x4d: {  	_ =	shalt  }
0x4e: {  	_ =	shalt  }
0x4f: {  	_ =	shalt  }
0x50: {  	_ =	shalt  }
0x51: {  	_ =	shalt  }
0x52: {  	_ =	shalt  }
0x53: {  	_ =	shalt  }
0x54: {  	_ =	shalt  }
0x55: {  	_ =	shalt  }
0x56: {  	_ =	shalt  }
0x57: {  	_ =	shalt  }
0x58: {  	_ =	shalt  }
0x59: {  	_ =	shalt  }
0x5a: {  	_ =	shalt  }
0x5b: {  	_ =	shalt  }
0x5c: {  	_ =	shalt  }
0x5d: {  	_ =	shalt  }
0x5e: {  	_ =	shalt  }
0x5f: {  	_ =	shalt  }
0x60: {  	_ =	shalt  }
0x61: {  	_ =	shalt  }
0x62: {  	_ =	shalt  }
0x63: {  	_ =	shalt  }
0x64: {  	_ =	shalt  }
0x65: {  	_ =	shalt  }
0x66: {  	_ =	shalt  }
0x67: {  	_ =	shalt  }
0x68: {  	_ =	shalt  }
0x69: {  	_ =	shalt  }
0x6a: {  	_ =	shalt  }
0x6b: {  	_ =	shalt  }
0x6c: {  	_ =	shalt  }
0x6d: {  	_ =	shalt  }
0x6e: {  	_ =	shalt  }
0x6f: {  	_ =	shalt  }
0x70: {  	_ =	shalt  }
0x71: {  	_ =	shalt  }
0x72: {  	_ =	shalt  }
0x73: {  	_ =	shalt  }
0x74: {  	_ =	shalt  }
0x75: {  	_ =	shalt  }
0x76: {  	_ =	shalt  }
0x77: {  	_ =	shalt  }
0x78: {  	_ =	shalt  }
0x79: {  	_ =	shalt  }
0x7a: {  	_ =	shalt  }
0x7b: {  	_ =	shalt  }
0x7c: {  	_ =	shalt  }
0x7d: {  	_ =	shalt  }
0x7e: {  	_ =	shalt  }
0x7f: {  	_ =	shalt  }
0x80: {  	_ =	shalt  }
0x81: {  	_ =	shalt  }
0x82: {  	_ =	shalt  }
0x83: {  	_ =	shalt  }
0x84: {  	_ =	shalt  }
0x85: {  	_ =	shalt  }
0x86: {  	_ =	shalt  }
0x87: {  	_ =	shalt  }
.Lfunc_end0:
.L_simem_size_0:
called_computation.1_lowered:
.L_overlay_start_0:
0x88: {  	s2 =	sld [smem:$0x3FD9]  }
0x89: {  	s3 =	sld [smem:$0x3FFE];
	_ =	sdelay $0x1  }
0x8a: {  	s1 =	srdreg.scid  }
0x8b: {  	s0 =	sand.u32 $0x1, s1  }
0x8c: {  	s16 =	sshll.u32 s0, $0xA;
	s2 =	sadd.s32 s3, s2  }
0x8d: {  	s2 =	sadd.s32 s2, s16  }
0x8e: {  	[smem:$0x3FBD] =	sst s2  }
0x8f: {  	_ = 	snop  }
0x90: {  	(tm) =	ssettm $0x1  }
0x91: {  	s17 =	sld [smem:$0x3FFB];
	_ =	sdelay $0x3  }
0x92: {  	_ =	strace s17  }
0x93: {  	s2 =	sld [smem:$0x3FFC];
	_ =	sdelay $0x3  }
0x94: {  	_ =	strace s2  }
0x95: {  	s2 =	sld [smem:$0x3FFD];
	_ =	sdelay $0x3  }
0x96: {  	_ =	strace s2  }
0x97: {  	_ =	strace $0x8FFFFFFF  }
0x98: {  	s18 =	sld [smem:$0x3FDB];
	_ =	sdelay $0x1  }
0x99: {  	s19 =	simm.s32 $_scs_section_size  }
0x9a: {  	s4 =	simm.s32 $_size__tile_overlayer_lowered;
	s5 =	simm.s32 $_tile_overlayer_lowered  }
0x9b: {  	s22 =	simm.s32 $0x1BFF;
	s21 =	sshll.u32 s5, $0x1;
	s2 =	sadd.s32 s19, s18  }
0x9c: {  	s6 =	simm.s32 $0x0;
	s20 =	sshll.u32 s4, $0x1;
	s4 =	sadd.s32 s21, s2  }
0x9d: {  	[timem:s6], [sflag:s22] =	dma.local [hbm:s4], s20  }
0x9e: {  	_ =	swait.ge [sflag:s22], s20  }
0x9f: {  	s3 =	ssub.s32 $0x0, s20;
	[sflag:s22] =	ssyncset.done $0x0  }
0xa0: {  	[sflag:s22] =	ssyncadd.s32 s3;
	_ =	sdelay $0x1  }
0xa1: {  	s23 =	simm.s32 $0x1B8B  }
0xa2: {  	_ =	swait.ge [sflag:s23], $0x1  }
0xa3: {  	[sflag:s23] =	ssyncset.done $0x0  }
0xa4: {  	s25 =	simm.s32 $0x1B8E;
	s24 =	sld [smem:$0x3FFE];
	[sflag:s23] =	ssyncadd.s32 $0xFFFFFFFF  }
0xa5: {  	s26 =	simm.s32 $execute0_lowered;
	[smem:$0x3FD2] =	sst s25  }
0xa6: {  	s4 =	sshll.u32 s26, $0x1;
	_ =	strace $0x80000049;
	[dreg:$0x1] =	wrdreg $0xFFFFFFFF  }
0xa7: {  	s28 =	simm.s32 $_size_execute0_lowered;
	s2 =	sadd.s32 s2, s4;
	[dreg:$0x0] =	wrdreg $0x0  }
0xa8: {  	s4 =	sshll.u32 s28, $0x1;
	[dreg:$0x2] =	wrdreg s2  }
0xa9: {  	[dreg:$0x3] =	wrdreg s4  }
0xaa: {  	[dreg:$0x4] =	wrdreg $0xC0  }
0xab: {  	_ =	task [dreg:s6], $0x5FFFF  }
0xac: {  	[dreg:$0x1] =	wrdreg $0xFFFFFFFF  }
0xad: {  	[dreg:$0x0] =	wrdreg $0x60  }
0xae: {  	[dreg:$0x2] =	wrdreg s24  }
0xaf: {  	[dreg:$0x3] =	wrdreg $0x90000  }
0xb0: {  	[dreg:$0x4] =	wrdreg $0x9  }
0xb1: {  	_ =	task.clear_ibuf [dreg:s6], $0x5FFFF;
	_ =	strace $0x90000049  }
0xb2: {  	s29 =	simm.s32 $0x9;
	_ =	strace $0x8000004B  }
0xb3: {  	_ =	swait.ge [sflag:s29], $0x1  }
0xb4: {  	[sflag:s29] =	ssyncadd.s32 $0xFFFFFFFF  }
0xb5: {  	_ =	strace $0x9000004B  }
0xb6: {  	_ =	sfence  }
0xb7: {  	s30 =	sld [smem:$0x0];
	_ =	sdelay $0x2  }
0xb8: {  	s31 =	sshll.u32 s1, $0xD;
	s1 =	sshrl.u32 s1, $0x2  }
0xb9: {  	s3 =	sand.u32 $0x4000, s31;
	s1 =	sadd.s32 s1, s30  }
0xba: {  	s0 =	sor.u32 s3, s0;
	s1 =	sshll.u32 s1, $0x11  }
0xbb: {  	s0 =	sor.u32 s1, s0  }
0xbc: {  	s0 =	sadd.s32 $0x8F2B, s0  }
0xbd: {  	[sflag:s0] =	ssyncadd.remote.s32 $0x1  }
0xbe: {  	_ =	sfence.sel $0xFFFF  }
0xbf: {  	[dreg:$0x0] =	wrdreg $0xFFFFFFFF;
	(pc) =	sbr.abs _section_cstart, $3  }
0xc0: {  	[dreg:$0x1] =	wrdreg $0xFFFFFFFF  }
0xc1: {  	_ =	task.clear_ibuf [dreg:s6], $0x2FFFF;
	_ =	strace $0x9FFFFFFF  }
0xc2: {  	(tm) =	ssettm $0x7FFFFFFF  }
0xc3: {  	_ =	shalt  }
tec
execute0_lowered:
.L_overlay_start_1:
0x0: {  	(tag) =	ssettag $0x1  }
0x1: {  	s1 =	srdreg.scid;
	s5 =	rddreg [dreg:$0x0]  }
0x2: {  	s0 =	stileid.u32;
	s2 =	rddreg [dreg:$0x1];
	s3 =	simm.s32 $0x0  }
0x3: {  	s14 =	simm.s32 $0x80;
	s15 =	simm.s32 $0x5000;
	s16 =	simm.s32 $0x1  }
0x4: {  	s17 =	simm.s32 $0x0;
	s6 =	sand.u32 $0x1, s1;
	s1 =	rddreg [dreg:$0x2]  }
0x5: {  	s26 =	sshll.u32 s0, $0x1;
	[smem:$0x7FF] =	sst s3;
	s8 =	smul.u32 $0x13C00, s0  }
0x6: {  	s29 =	smul.u32 $0x4F000, s0;
	s31 =	sshll.u32 s0, $0x6;
	s4 =	sor.u32 s6, s26  }
0x7: {  	_ =	strace $0x8000004A;
	s9 =	smul.u32 $0x13C000, s6;
	s6 =	ssub.s32 $0x2, s6  }
0x8: {  	s7 =	smul.u32 $0x500, s4;
	s4 =	sadd.s32 $0xD200, s5;
	s28 =	sshrl.u32 s8, $0x3  }
0x9: {  	s11 =	sshrl.u32 s6, $0x1;
	s30 =	sshrl.u32 s29, $0x2;
	s8 =	sadd.s32 s8, s9  }
0xa: {  	s11 =	ssub.s32 s6, s11;
	s13 =	sadd.s32 s30, s2;
	s6 =	sor.u32 $0x1C02, s31  }
0xb: {  	s10 =	sadd.s32 s7, s5;
	s7 =	sadd.s32 s28, s5;
	s8 =	sshrl.u32 s8, $0x3  }
0xc: {  	s12 =	sadd.s32 s8, s5;
	s5 =	sadd.s32 $0x34400, s7;
	s7 =	sadd.s32 $0x83A00, s10  }
0xd: {  	s8 =	sadd.s32 $0x3200, s10;
	s10 =	smax.u32 s11, $0x1;
	s11 =	sshrl.u32 s13, $0x3  }
0xe: {  	s13 =	simm.s32 $0x2800;
	s9 =	sadd.s32 $0x8DA00, s12;
	s12 =	simm.s32 $0x2  }
.LBB2_1:
0xf: {  	[spmem:s11], [sflag:s6] =	dma.local [hbm:s5], $0x2780  }
0x10: {  	_ =	swait.ge [sflag:s12], $0x2780  }
0x11: {  	[sflag:s12] =	ssyncset.done $0x0  }
0x12: {  	[sflag:s12] =	ssyncadd.s32 $0xFFFFD880  }
0x13: {  	[tilespmem:s3], [sflag:$0x2] =	stream.linear.gather [hbm4b:s7+s3], $0x2800, $0x38;
	[tilespmem:$0x1CC00] =	vst v63  }
0x14: {  	_ =	swait.ge [sflag:s12], $0x2800  }
0x15: {  	[sflag:s12] =	ssyncset.done $0x0  }
0x16: {  	[sflag:s12] =	ssyncadd.s32 $0xFFFFD800  }
0x17: {  	[tilespmem:s13], [sflag:$0x2] =	stream.linear.gather [hbm4b:s8+s3], $0x2800, $0x38;
	[tilespmem:$0x1CC00] =	vst v63  }
0x18: {  	_ =	swait.ge [sflag:s12], $0x2800  }
0x19: {  	[sflag:s12] =	ssyncset.done $0x0  }
0x1a: {  	[sflag:s12] =	ssyncadd.s32 $0xFFFFD800  }
0x1b: {  	s18 =	simm.s32 $0x0;
	[bflag:$0x0] =	sbarrier.arrive $0xFFFF  }
0x1c: {  	[tilespmem:s15], [sflag:$0x1] =	stream.indirect.gather [hbm4b:s4+s14], $0x80, s18, s14, $0xb8;
	[tilespmem:$0x1CC00] =	vst v63  }
0x1d: {  	_ =	swait.ge [sflag:s16], $0x4000  }
0x1e: {  	[sflag:s16] =	ssyncset.done $0x0  }
0x1f: {  	s31 =	simm.s32 $0x2800;
	[sflag:s16] =	ssyncadd.s32 $0xFFFFC000  }
0x20: {  	[spmem:s2] =	stream.indirect.scatter.add.f32 [tilespmem:s15], [sflag:$0x2], $0x80, s31, s14, $0xb8;
	[tilespmem:$0x1CC00] =	vst v63  }
0x21: {  	_ =	swait.ge [sflag:s12], $0x4000  }
0x22: {  	s19 =	simm.s32 $0x400;
	s18 =	simm.s32 $0x200;
	[sflag:s12] =	ssyncset.done $0x0  }
.LBB2_2:
0x23: {  	s20 =	sshra.s32 s18, $0x2  }
0x24: {  	[sflag:s12] =	ssyncadd.s32 $0xFFFFC000;
	s18 =	smov.u32 s19;
	s21 =	sadd.s32 $0x200, s19  }
0x25: {  	[tilespmem:s15], [sflag:$0x1] =	stream.indirect.gather [hbm4b:s4+s14], $0x80, s20, s14, $0xb8;
	[tilespmem:$0x1CC00] =	vst v63  }
0x26: {  	p0 =	sne.s32 s19, $0x9E00;
	_ =	swait.ge [sflag:s16], $0x4000  }
.Ltmp0:
0x27: {  	[sflag:s16] =	ssyncset.done $0x0;
	(pc) =	sbr.rel @p0 .LBB2_2-.Ltmp0, $4  }
0x28: {  	s19 =	sadd.s32 $0x2800, s20;
	[sflag:s16] =	ssyncadd.s32 $0xFFFFC000  }
0x29: {  	[spmem:s2] =	stream.indirect.scatter.add.f32 [tilespmem:s15], [sflag:$0x2], $0x80, s19, s14, $0xb8;
	[tilespmem:$0x1CC00] =	vst v63  }
0x2a: {  	_ =	swait.ge [sflag:s12], $0x4000  }
0x2b: {  	s19 =	smov.u32 s21;
	[sflag:s12] =	ssyncset.done $0x0  }
0x2c: {  	s18 =	sshra.s32 s18, $0x2;
	[sflag:s12] =	ssyncadd.s32 $0xFFFFC000  }
0x2d: {  	[tilespmem:s15], [sflag:$0x1] =	stream.indirect.gather [hbm4b:s4+s14], $0x80, s18, s14, $0xb8;
	[tilespmem:$0x1CC00] =	vst v63  }
0x2e: {  	_ =	swait.ge [sflag:s16], $0x4000  }
0x2f: {  	[sflag:s16] =	ssyncset.done $0x0  }
0x30: {  	s18 =	sadd.s32 $0x2800, s18;
	[sflag:s16] =	ssyncadd.s32 $0xFFFFC000  }
0x31: {  	[spmem:s2] =	stream.indirect.scatter.add.f32 [tilespmem:s15], [sflag:$0x2], $0x80, s18, s14, $0xb8;
	[tilespmem:$0x1CC00] =	vst v63  }
0x32: {  	_ =	swait.ge [sflag:s12], $0x4000  }
0x33: {  	s17 =	sadd.s32 $0x1, s17;
	[sflag:s12] =	ssyncset.done $0x0  }
0x34: {  	p0 =	sne.s32 s17, s10;
	[sflag:s12] =	ssyncadd.s32 $0xFFFFC000  }
.Ltmp1:
0x35: {  	[bflag:$0x0] =	sbarrier.arrive $0xFFFF;
	(pc) =	sbr.rel @p0 .LBB2_1-.Ltmp1, $4  }
0x36: {  	[hbm:s9], [sflag:s6] =	dma.local [spmem:s11], $0x2780  }
0x37: {  	_ =	swait.ge [sflag:s12], $0x2780  }
0x38: {  	[sflag:s12] =	ssyncset.done $0x0  }
0x39: {  	[sflag:s12] =	ssyncadd.s32 $0xFFFFD880  }
0x3a: {  	_ =	sfence.sel $0x180000  }
0x3b: {  	[bflag:$0x0] =	sbarrier.arrive $0xFFFF  }
0x3c: {  	p0 =	sne.s32 s0, $0x0;
	_ =	strace $0x9000004A  }
0x3d: {  	s0 =	sadd.s32 @!p0 $0x100000, s1;
	[bflag:$0x2] =	sbarrier.arrive $0xFFFF  }
0x3e: {  	[sflag:s0] =	ssyncadd.tile.s32 @!p0 $0x1;
	_ =	shalt  }
.Lfunc_end2:
_tile_overlayer_lowered:
.L_overlay_start_2:
0x3f: {  	(tag) =	ssettag $0x2  }
0x40: {  	s0 =	rddreg [dreg:$0x0];
	s2 =	stileid.u32  }
0x41: {  	s1 =	rddreg [dreg:$0x1];
	p0 =	sne.s32 s2, $0x0  }
0x42: {  	s3 =	rddreg [dreg:$0x2];
	[bflag:$0x3] =	sbarrier.arrive $0xFFFF;
	s2 =	simm.s32 @!p0 $0x1C02  }
0x43: {  	[timem:s3], [sflag:s2] =	dma.local @!p0 [hbm:s0], s1  }
0x44: {  	s0 =	simm.s32 @!p0 $0x2  }
0x45: {  	_ =	swait.ge @!p0 [sflag:s0], s1  }
0x46: {  	s1 =	ssub.s32 @!p0 $0x0, s1;
	[sflag:s0] =	ssyncset.done @!p0 $0x0  }
0x47: {  	[sflag:s0] =	ssyncadd.s32 @!p0 s1  }
0x48: {  	[bflag:$0x3] =	sbarrier.arrive $0xFFFF  }
0x49: {  	_ =	shalt  }

// kernel: kernel.16.cloned.1.call-start
scs
__scs_entry_jumppad:
0x0: {  	(pc) =	sbr.rel $0x88, $3  }
0x1: {  	(tag) =	ssettag $0x0;
	lr =	simm.s32 $0x1  }
0x2: {  	[smem:$0x3F96] =	sst lr;
	_ =	strace $0xD0000000  }
0x3: {  	_ = 	snop  }
0x4: {  	_ = 	snop  }
0x5: {  	_ = 	snop  }
0x6: {  	_ = 	snop  }
0x7: {  	_ = 	snop  }
__scs_overlays_trampoline_lowered:
0x8: {  	[smem:$0x3FA5] =	sst s0  }
0x9: {  	[smem:$0x3FA6] =	sst s1  }
0xa: {  	[smem:$0x3FA7] =	sst s2  }
0xb: {  	[smem:$0x3FA8] =	sst s3  }
0xc: {  	[smem:$0x3FA9] =	sst s4  }
0xd: {  	[smem:$0x3FAA] =	sst s5  }
0xe: {  	[smem:$0x3FAB] =	sst s6  }
0xf: {  	[smem:$0x3FAC] =	sst s7  }
0x10: {  	[smem:$0x3FAD] =	sst s8  }
0x11: {  	[smem:$0x3FAE] =	sst s9;
	s0 =	simm.s32 @!p0 $0x0  }
0x12: {  	s1 =	sld [smem:$0x3F94];
	s0 =	simm.s32 @p0 $0x1  }
0x13: {  	[smem:$0x3FAF] =	sst s0;
	s0 =	simm.s32 @!p1 $0x0  }
0x14: {  	s2 =	sld [smem:$0x3F93];
	s0 =	simm.s32 @p1 $0x1  }
0x15: {  	[smem:$0x3FB0] =	sst s0;
	s0 =	simm.s32 @!p2 $0x0  }
0x16: {  	s3 =	sld [smem:$0x3FDB];
	s0 =	simm.s32 @p2 $0x1  }
0x17: {  	s4 =	simm.s32 $0x1BF5;
	[smem:$0x3FB2] =	sst s0  }
0x18: {  	s0 =	sld [smem:$0x3F95];
	_ =	swait.ge [sflag:s4], $0x0  }
0x19: {  	s7 =	sld [smem:$0x3F96]  }
0x1a: {  	s8 =	sadd.s32 $0xFFFFE003, lr  }
0x1b: {  	s9 =	sadd.s32 $0xFFFFFEF7, lr;
	s5 =	simm.s32 $0xFFFFFFFF;
	p2 =	slt.u32 s8, $0xFFFFF086  }
0x1c: {  	p1 =	slt.u32 s9, $0xF7A;
	s5 =	simm.s32 @!p2 $0x0  }
0x1d: {  	s5 =	simm.s32 @p1 $0x1;
	p0 =	seq.s32 s7, s2  }
0x1e: {  	s7 =	smul.u32 @!p0 $0xF7A, s2;
	p2 =	seq.s32 @!p0 s5, $0x0  }
0x1f: {  	s9 =	smul.u32 $0xF7A, s1;
	s8 =	simm.s32 @!p0 $0x1BF5;
	p2 =	por !p2, p0  }
0x20: {  	[sflag:s8] =	ssyncset.s32 @!p0 $0xFFFFF086;
	s6 =	sadd.s32 @!p0 s3, s7;
	s7 =	simm.s32 @!p0 $0x108  }
0x21: {  	s3 =	sadd.s32 s3, s9;
	s6 =	sadd.s32 @!p0 $0x88, s6;
	s7 =	simm.s32 @p2 $0x1082  }
0x22: {  	[simem:s7], [sflag:s8] =	dma.local @!p0 [hbm:s6], $0xF7A  }
0x23: {  	s9 =	sor.u32 $0xD0000000, s2;
	s6 =	simm.s32 $0x108;
	_ =	swait.ge @!p0 [sflag:s8], $0x0  }
0x24: {  	s3 =	sadd.s32 $0x88, s3;
	s6 =	simm.s32 @!p1 $0x1082;
	[sflag:s4] =	ssyncset.s32 $0xFFFFF086  }
0x25: {  	[simem:s6], [sflag:s4] =	dma.local [hbm:s3], $0xF7A  }
0x26: {  	[smem:$0x3F96] =	sst s1;
	(tag) =	ssettag s2;
	_ =	strace s9  }
0x27: {  	s1 =	sld [smem:$0x3FA6]  }
0x28: {  	s2 =	sld [smem:$0x3FA7]  }
0x29: {  	s4 =	sld [smem:$0x3FA9]  }
0x2a: {  	p0 =	seq.s32 s5, $0x0;
	s5 =	sld [smem:$0x3FAA]  }
0x2b: {  	s6 =	sld [smem:$0x3FAB]  }
0x2c: {  	s7 =	sld [smem:$0x3FAC]  }
0x2d: {  	s3 =	simm.s32 $0x108;
	s8 =	sld [smem:$0x3FAD]  }
0x2e: {  	s3 =	simm.s32 @!p0 $0x1082;
	s9 =	sld [smem:$0x3FAE]  }
0x2f: {  	lr =	sadd.s32 s0, s3;
	s0 =	sld [smem:$0x3FA5]  }
0x30: {  	s3 =	sld [smem:$0x3FA8]  }
0x31: {  	[smem:$0x3FB1] =	sst s10  }
0x32: {  	s10 =	sld [smem:$0x3FAF];
	_ =	sdelay $0x3  }
0x33: {  	p0 =	seq.s32 s10, $0x1;
	s10 =	sld [smem:$0x3FB1];
	_ =	sdelay $0x3  }
0x34: {  	[smem:$0x3FB1] =	sst s10  }
0x35: {  	s10 =	sld [smem:$0x3FB0];
	_ =	sdelay $0x3  }
0x36: {  	p1 =	seq.s32 s10, $0x1;
	s10 =	sld [smem:$0x3FB1];
	_ =	sdelay $0x3  }
0x37: {  	[smem:$0x3FB1] =	sst s10  }
0x38: {  	s10 =	sld [smem:$0x3FB2]  }
0x39: {  	_ = 	snop;
	(pc) =	sbr.ind lr, $3  }
0x3a: {  	_ = 	snop  }
0x3b: {  	_ = 	snop  }
0x3c: {  	p2 =	seq.s32 s10, $0x1;
	s10 =	sld [smem:$0x3FB1]  }
0x3d: {  	_ =	shalt  }
0x3e: {  	_ =	shalt  }
0x3f: {  	_ =	shalt  }
0x40: {  	_ =	shalt  }
0x41: {  	_ =	shalt  }
0x42: {  	_ =	shalt  }
0x43: {  	_ =	shalt  }
0x44: {  	_ =	shalt  }
0x45: {  	_ =	shalt  }
0x46: {  	_ =	shalt  }
0x47: {  	_ =	shalt  }
0x48: {  	_ =	shalt  }
0x49: {  	_ =	shalt  }
0x4a: {  	_ =	shalt  }
0x4b: {  	_ =	shalt  }
0x4c: {  	_ =	shalt  }
0x4d: {  	_ =	shalt  }
0x4e: {  	_ =	shalt  }
0x4f: {  	_ =	shalt  }
0x50: {  	_ =	shalt  }
0x51: {  	_ =	shalt  }
0x52: {  	_ =	shalt  }
0x53: {  	_ =	shalt  }
0x54: {  	_ =	shalt  }
0x55: {  	_ =	shalt  }
0x56: {  	_ =	shalt  }
0x57: {  	_ =	shalt  }
0x58: {  	_ =	shalt  }
0x59: {  	_ =	shalt  }
0x5a: {  	_ =	shalt  }
0x5b: {  	_ =	shalt  }
0x5c: {  	_ =	shalt  }
0x5d: {  	_ =	shalt  }
0x5e: {  	_ =	shalt  }
0x5f: {  	_ =	shalt  }
0x60: {  	_ =	shalt  }
0x61: {  	_ =	shalt  }
0x62: {  	_ =	shalt  }
0x63: {  	_ =	shalt  }
0x64: {  	_ =	shalt  }
0x65: {  	_ =	shalt  }
0x66: {  	_ =	shalt  }
0x67: {  	_ =	shalt  }
0x68: {  	_ =	shalt  }
0x69: {  	_ =	shalt  }
0x6a: {  	_ =	shalt  }
0x6b: {  	_ =	shalt  }
0x6c: {  	_ =	shalt  }
0x6d: {  	_ =	shalt  }
0x6e: {  	_ =	shalt  }
0x6f: {  	_ =	shalt  }
0x70: {  	_ =	shalt  }
0x71: {  	_ =	shalt  }
0x72: {  	_ =	shalt  }
0x73: {  	_ =	shalt  }
0x74: {  	_ =	shalt  }
0x75: {  	_ =	shalt  }
0x76: {  	_ =	shalt  }
0x77: {  	_ =	shalt  }
0x78: {  	_ =	shalt  }
0x79: {  	_ =	shalt  }
0x7a: {  	_ =	shalt  }
0x7b: {  	_ =	shalt  }
0x7c: {  	_ =	shalt  }
0x7d: {  	_ =	shalt  }
0x7e: {  	_ =	shalt  }
0x7f: {  	_ =	shalt  }
0x80: {  	_ =	shalt  }
0x81: {  	_ =	shalt  }
0x82: {  	_ =	shalt  }
0x83: {  	_ =	shalt  }
0x84: {  	_ =	shalt  }
0x85: {  	_ =	shalt  }
0x86: {  	_ =	shalt  }
0x87: {  	_ =	shalt  }
.Lfunc_end0:
.L_simem_size_0:
called_computation.2_lowered:
.L_overlay_start_0:
0x88: {  	s2 =	sld [smem:$0x3FD9]  }
0x89: {  	s3 =	sld [smem:$0x3FFE];
	_ =	sdelay $0x1  }
0x8a: {  	s1 =	srdreg.scid  }
0x8b: {  	s0 =	sand.u32 $0x1, s1  }
0x8c: {  	s16 =	sshll.u32 s0, $0xA;
	s2 =	sadd.s32 s3, s2  }
0x8d: {  	s2 =	sadd.s32 s2, s16  }
0x8e: {  	[smem:$0x3FBD] =	sst s2  }
0x8f: {  	_ = 	snop  }
0x90: {  	(tm) =	ssettm $0x1  }
0x91: {  	s17 =	sld [smem:$0x3FFB];
	_ =	sdelay $0x3  }
0x92: {  	_ =	strace s17  }
0x93: {  	s2 =	sld [smem:$0x3FFC];
	_ =	sdelay $0x3  }
0x94: {  	_ =	strace s2  }
0x95: {  	s2 =	sld [smem:$0x3FFD];
	_ =	sdelay $0x3  }
0x96: {  	_ =	strace s2  }
0x97: {  	_ =	strace $0x8FFFFFFF  }
0x98: {  	s18 =	sld [smem:$0x3FDB];
	_ =	sdelay $0x1  }
0x99: {  	s19 =	simm.s32 $_scs_section_size  }
0x9a: {  	s4 =	simm.s32 $_size__tile_overlayer_lowered;
	s5 =	simm.s32 $_tile_overlayer_lowered  }
0x9b: {  	s22 =	simm.s32 $0x1BFF;
	s21 =	sshll.u32 s5, $0x1;
	s2 =	sadd.s32 s19, s18  }
0x9c: {  	s6 =	simm.s32 $0x0;
	s20 =	sshll.u32 s4, $0x1;
	s4 =	sadd.s32 s21, s2  }
0x9d: {  	[timem:s6], [sflag:s22] =	dma.local [hbm:s4], s20  }
0x9e: {  	_ =	swait.ge [sflag:s22], s20  }
0x9f: {  	s3 =	ssub.s32 $0x0, s20;
	[sflag:s22] =	ssyncset.done $0x0  }
0xa0: {  	[sflag:s22] =	ssyncadd.s32 s3;
	_ =	sdelay $0x1  }
0xa1: {  	s23 =	simm.s32 $0x1B8B  }
0xa2: {  	_ =	swait.ge [sflag:s23], $0x1  }
0xa3: {  	[sflag:s23] =	ssyncset.done $0x0  }
0xa4: {  	s25 =	simm.s32 $0x1B8E;
	s24 =	sld [smem:$0x3FFE];
	[sflag:s23] =	ssyncadd.s32 $0xFFFFFFFF  }
0xa5: {  	s26 =	simm.s32 $execute0_lowered;
	[smem:$0x3FD2] =	sst s25  }
0xa6: {  	s4 =	sshll.u32 s26, $0x1;
	_ =	strace $0x8000004C;
	[dreg:$0x1] =	wrdreg $0xFFFFFFFF  }
0xa7: {  	s28 =	simm.s32 $_size_execute0_lowered;
	s2 =	sadd.s32 s2, s4;
	[dreg:$0x0] =	wrdreg $0x0  }
0xa8: {  	s4 =	sshll.u32 s28, $0x1;
	[dreg:$0x2] =	wrdreg s2  }
0xa9: {  	[dreg:$0x3] =	wrdreg s4  }
0xaa: {  	[dreg:$0x4] =	wrdreg $0xC0  }
0xab: {  	_ =	task [dreg:s6], $0x5FFFF  }
0xac: {  	[dreg:$0x1] =	wrdreg $0xFFFFFFFF  }
0xad: {  	[dreg:$0x0] =	wrdreg $0x60  }
0xae: {  	[dreg:$0x2] =	wrdreg s24  }
0xaf: {  	[dreg:$0x3] =	wrdreg $0x90000  }
0xb0: {  	[dreg:$0x4] =	wrdreg $0x9  }
0xb1: {  	_ =	task.clear_ibuf [dreg:s6], $0x5FFFF;
	_ =	strace $0x9000004C  }
0xb2: {  	s29 =	simm.s32 $0x9;
	_ =	strace $0x8000004E  }
0xb3: {  	_ =	swait.ge [sflag:s29], $0x1  }
0xb4: {  	[sflag:s29] =	ssyncadd.s32 $0xFFFFFFFF  }
0xb5: {  	_ =	strace $0x9000004E  }
0xb6: {  	_ =	sfence  }
0xb7: {  	s30 =	sld [smem:$0x0];
	_ =	sdelay $0x2  }
0xb8: {  	s31 =	sshll.u32 s1, $0xD;
	s1 =	sshrl.u32 s1, $0x2  }
0xb9: {  	s3 =	sand.u32 $0x4000, s31;
	s1 =	sadd.s32 s1, s30  }
0xba: {  	s0 =	sor.u32 s3, s0;
	s1 =	sshll.u32 s1, $0x11  }
0xbb: {  	s0 =	sor.u32 s1, s0  }
0xbc: {  	s0 =	sadd.s32 $0x8F2B, s0  }
0xbd: {  	[sflag:s0] =	ssyncadd.remote.s32 $0x1  }
0xbe: {  	_ =	sfence.sel $0xFFFF  }
0xbf: {  	[dreg:$0x0] =	wrdreg $0xFFFFFFFF;
	(pc) =	sbr.abs _section_cstart, $3  }
0xc0: {  	[dreg:$0x1] =	wrdreg $0xFFFFFFFF  }
0xc1: {  	_ =	task.clear_ibuf [dreg:s6], $0x2FFFF;
	_ =	strace $0x9FFFFFFF  }
0xc2: {  	(tm) =	ssettm $0x7FFFFFFF  }
0xc3: {  	_ =	shalt  }
tec
execute0_lowered:
.L_overlay_start_1:
0x0: {  	(tag) =	ssettag $0x1  }
0x1: {  	s1 =	srdreg.scid;
	s5 =	rddreg [dreg:$0x0]  }
0x2: {  	s0 =	stileid.u32;
	s2 =	rddreg [dreg:$0x1];
	s3 =	simm.s32 $0x0  }
0x3: {  	s14 =	simm.s32 $0x80;
	s15 =	simm.s32 $0x5000;
	s16 =	simm.s32 $0x1  }
0x4: {  	s17 =	simm.s32 $0x0;
	s6 =	sand.u32 $0x1, s1;
	s1 =	rddreg [dreg:$0x2]  }
0x5: {  	s26 =	sshll.u32 s0, $0x1;
	[smem:$0x7FF] =	sst s3;
	s8 =	smul.u32 $0x13C00, s0  }
0x6: {  	s29 =	smul.u32 $0x4F000, s0;
	s31 =	sshll.u32 s0, $0x6;
	s4 =	sor.u32 s6, s26  }
0x7: {  	_ =	strace $0x8000004D;
	s9 =	smul.u32 $0x13C000, s6;
	s6 =	ssub.s32 $0x2, s6  }
0x8: {  	s7 =	smul.u32 $0x500, s4;
	s4 =	sadd.s32 $0xD200, s5;
	s28 =	sshrl.u32 s8, $0x3  }
0x9: {  	s11 =	sshrl.u32 s6, $0x1;
	s30 =	sshrl.u32 s29, $0x2;
	s8 =	sadd.s32 s8, s9  }
0xa: {  	s11 =	ssub.s32 s6, s11;
	s13 =	sadd.s32 s30, s2;
	s6 =	sor.u32 $0x1C02, s31  }
0xb: {  	s10 =	sadd.s32 s7, s5;
	s7 =	sadd.s32 s28, s5;
	s8 =	sshrl.u32 s8, $0x3  }
0xc: {  	s12 =	sadd.s32 s8, s5;
	s5 =	sadd.s32 $0x34400, s7;
	s7 =	sadd.s32 $0x83A00, s10  }
0xd: {  	s8 =	sadd.s32 $0x3200, s10;
	s10 =	smax.u32 s11, $0x1;
	s11 =	sshrl.u32 s13, $0x3  }
0xe: {  	s13 =	simm.s32 $0x2800;
	s9 =	sadd.s32 $0x8DA00, s12;
	s12 =	simm.s32 $0x2  }
.LBB2_1:
0xf: {  	[spmem:s11], [sflag:s6] =	dma.local [hbm:s5], $0x2780  }
0x10: {  	_ =	swait.ge [sflag:s12], $0x2780  }
0x11: {  	[sflag:s12] =	ssyncset.done $0x0  }
0x12: {  	[sflag:s12] =	ssyncadd.s32 $0xFFFFD880  }
0x13: {  	[tilespmem:s3], [sflag:$0x2] =	stream.linear.gather [hbm4b:s7+s3], $0x2800, $0x38;
	[tilespmem:$0x1CC00] =	vst v63  }
0x14: {  	_ =	swait.ge [sflag:s12], $0x2800  }
0x15: {  	[sflag:s12] =	ssyncset.done $0x0  }
0x16: {  	[sflag:s12] =	ssyncadd.s32 $0xFFFFD800  }
0x17: {  	[tilespmem:s13], [sflag:$0x2] =	stream.linear.gather [hbm4b:s8+s3], $0x2800, $0x38;
	[tilespmem:$0x1CC00] =	vst v63  }
0x18: {  	_ =	swait.ge [sflag:s12], $0x2800  }
0x19: {  	[sflag:s12] =	ssyncset.done $0x0  }
0x1a: {  	[sflag:s12] =	ssyncadd.s32 $0xFFFFD800  }
0x1b: {  	s18 =	simm.s32 $0x0;
	[bflag:$0x0] =	sbarrier.arrive $0xFFFF  }
0x1c: {  	[tilespmem:s15], [sflag:$0x1] =	stream.indirect.gather [hbm4b:s4+s14], $0x80, s18, s14, $0xb8;
	[tilespmem:$0x1CC00] =	vst v63  }
0x1d: {  	_ =	swait.ge [sflag:s16], $0x4000  }
0x1e: {  	[sflag:s16] =	ssyncset.done $0x0  }
0x1f: {  	s31 =	simm.s32 $0x2800;
	[sflag:s16] =	ssyncadd.s32 $0xFFFFC000  }
0x20: {  	[spmem:s2] =	stream.indirect.scatter.add.f32 [tilespmem:s15], [sflag:$0x2], $0x80, s31, s14, $0xb8;
	[tilespmem:$0x1CC00] =	vst v63  }
0x21: {  	_ =	swait.ge [sflag:s12], $0x4000  }
0x22: {  	s19 =	simm.s32 $0x400;
	s18 =	simm.s32 $0x200;
	[sflag:s12] =	ssyncset.done $0x0  }
.LBB2_2:
0x23: {  	s20 =	sshra.s32 s18, $0x2  }
0x24: {  	[sflag:s12] =	ssyncadd.s32 $0xFFFFC000;
	s18 =	smov.u32 s19;
	s21 =	sadd.s32 $0x200, s19  }
0x25: {  	[tilespmem:s15], [sflag:$0x1] =	stream.indirect.gather [hbm4b:s4+s14], $0x80, s20, s14, $0xb8;
	[tilespmem:$0x1CC00] =	vst v63  }
0x26: {  	p0 =	sne.s32 s19, $0x9E00;
	_ =	swait.ge [sflag:s16], $0x4000  }
.Ltmp0:
0x27: {  	[sflag:s16] =	ssyncset.done $0x0;
	(pc) =	sbr.rel @p0 .LBB2_2-.Ltmp0, $4  }
0x28: {  	s19 =	sadd.s32 $0x2800, s20;
	[sflag:s16] =	ssyncadd.s32 $0xFFFFC000  }
0x29: {  	[spmem:s2] =	stream.indirect.scatter.add.f32 [tilespmem:s15], [sflag:$0x2], $0x80, s19, s14, $0xb8;
	[tilespmem:$0x1CC00] =	vst v63  }
0x2a: {  	_ =	swait.ge [sflag:s12], $0x4000  }
0x2b: {  	s19 =	smov.u32 s21;
	[sflag:s12] =	ssyncset.done $0x0  }
0x2c: {  	s18 =	sshra.s32 s18, $0x2;
	[sflag:s12] =	ssyncadd.s32 $0xFFFFC000  }
0x2d: {  	[tilespmem:s15], [sflag:$0x1] =	stream.indirect.gather [hbm4b:s4+s14], $0x80, s18, s14, $0xb8;
	[tilespmem:$0x1CC00] =	vst v63  }
0x2e: {  	_ =	swait.ge [sflag:s16], $0x4000  }
0x2f: {  	[sflag:s16] =	ssyncset.done $0x0  }
0x30: {  	s18 =	sadd.s32 $0x2800, s18;
	[sflag:s16] =	ssyncadd.s32 $0xFFFFC000  }
0x31: {  	[spmem:s2] =	stream.indirect.scatter.add.f32 [tilespmem:s15], [sflag:$0x2], $0x80, s18, s14, $0xb8;
	[tilespmem:$0x1CC00] =	vst v63  }
0x32: {  	_ =	swait.ge [sflag:s12], $0x4000  }
0x33: {  	s17 =	sadd.s32 $0x1, s17;
	[sflag:s12] =	ssyncset.done $0x0  }
0x34: {  	p0 =	sne.s32 s17, s10;
	[sflag:s12] =	ssyncadd.s32 $0xFFFFC000  }
.Ltmp1:
0x35: {  	[bflag:$0x0] =	sbarrier.arrive $0xFFFF;
	(pc) =	sbr.rel @p0 .LBB2_1-.Ltmp1, $4  }
0x36: {  	[hbm:s9], [sflag:s6] =	dma.local [spmem:s11], $0x2780  }
0x37: {  	_ =	swait.ge [sflag:s12], $0x2780  }
0x38: {  	[sflag:s12] =	ssyncset.done $0x0  }
0x39: {  	[sflag:s12] =	ssyncadd.s32 $0xFFFFD880  }
0x3a: {  	_ =	sfence.sel $0x180000  }
0x3b: {  	[bflag:$0x0] =	sbarrier.arrive $0xFFFF  }
0x3c: {  	p0 =	sne.s32 s0, $0x0;
	_ =	strace $0x9000004D  }
0x3d: {  	s0 =	sadd.s32 @!p0 $0x100000, s1;
	[bflag:$0x2] =	sbarrier.arrive $0xFFFF  }
0x3e: {  	[sflag:s0] =	ssyncadd.tile.s32 @!p0 $0x1;
	_ =	shalt  }
.Lfunc_end2:
_tile_overlayer_lowered:
.L_overlay_start_2:
0x3f: {  	(tag) =	ssettag $0x2  }
0x40: {  	s0 =	rddreg [dreg:$0x0];
	s2 =	stileid.u32  }
0x41: {  	s1 =	rddreg [dreg:$0x1];
	p0 =	sne.s32 s2, $0x0  }
0x42: {  	s3 =	rddreg [dreg:$0x2];
	[bflag:$0x3] =	sbarrier.arrive $0xFFFF;
	s2 =	simm.s32 @!p0 $0x1C02  }
0x43: {  	[timem:s3], [sflag:s2] =	dma.local @!p0 [hbm:s0], s1  }
0x44: {  	s0 =	simm.s32 @!p0 $0x2  }
0x45: {  	_ =	swait.ge @!p0 [sflag:s0], s1  }
0x46: {  	s1 =	ssub.s32 @!p0 $0x0, s1;
	[sflag:s0] =	ssyncset.done @!p0 $0x0  }
0x47: {  	[sflag:s0] =	ssyncadd.s32 @!p0 s1  }
0x48: {  	[bflag:$0x3] =	sbarrier.arrive $0xFFFF  }
0x49: {  	_ =	shalt  }

// kernel: kernel.19.cloned.1.call-start
scs
__scs_entry_jumppad:
0x0: {  	(pc) =	sbr.rel $0x88, $3  }
0x1: {  	(tag) =	ssettag $0x0;
	lr =	simm.s32 $0x1  }
0x2: {  	[smem:$0x3F96] =	sst lr;
	_ =	strace $0xD0000000  }
0x3: {  	_ = 	snop  }
0x4: {  	_ = 	snop  }
0x5: {  	_ = 	snop  }
0x6: {  	_ = 	snop  }
0x7: {  	_ = 	snop  }
__scs_overlays_trampoline_lowered:
0x8: {  	[smem:$0x3FA5] =	sst s0  }
0x9: {  	[smem:$0x3FA6] =	sst s1  }
0xa: {  	[smem:$0x3FA7] =	sst s2  }
0xb: {  	[smem:$0x3FA8] =	sst s3  }
0xc: {  	[smem:$0x3FA9] =	sst s4  }
0xd: {  	[smem:$0x3FAA] =	sst s5  }
0xe: {  	[smem:$0x3FAB] =	sst s6  }
0xf: {  	[smem:$0x3FAC] =	sst s7  }
0x10: {  	[smem:$0x3FAD] =	sst s8  }
0x11: {  	[smem:$0x3FAE] =	sst s9;
	s0 =	simm.s32 @!p0 $0x0  }
0x12: {  	s1 =	sld [smem:$0x3F94];
	s0 =	simm.s32 @p0 $0x1  }
0x13: {  	[smem:$0x3FAF] =	sst s0;
	s0 =	simm.s32 @!p1 $0x0  }
0x14: {  	s2 =	sld [smem:$0x3F93];
	s0 =	simm.s32 @p1 $0x1  }
0x15: {  	[smem:$0x3FB0] =	sst s0;
	s0 =	simm.s32 @!p2 $0x0  }
0x16: {  	s3 =	sld [smem:$0x3FDB];
	s0 =	simm.s32 @p2 $0x1  }
0x17: {  	s4 =	simm.s32 $0x1BF5;
	[smem:$0x3FB2] =	sst s0  }
0x18: {  	s0 =	sld [smem:$0x3F95];
	_ =	swait.ge [sflag:s4], $0x0  }
0x19: {  	s7 =	sld [smem:$0x3F96]  }
0x1a: {  	s8 =	sadd.s32 $0xFFFFE003, lr  }
0x1b: {  	s9 =	sadd.s32 $0xFFFFFEF7, lr;
	s5 =	simm.s32 $0xFFFFFFFF;
	p2 =	slt.u32 s8, $0xFFFFF086  }
0x1c: {  	p1 =	slt.u32 s9, $0xF7A;
	s5 =	simm.s32 @!p2 $0x0  }
0x1d: {  	s5 =	simm.s32 @p1 $0x1;
	p0 =	seq.s32 s7, s2  }
0x1e: {  	s7 =	smul.u32 @!p0 $0xF7A, s2;
	p2 =	seq.s32 @!p0 s5, $0x0  }
0x1f: {  	s9 =	smul.u32 $0xF7A, s1;
	s8 =	simm.s32 @!p0 $0x1BF5;
	p2 =	por !p2, p0  }
0x20: {  	[sflag:s8] =	ssyncset.s32 @!p0 $0xFFFFF086;
	s6 =	sadd.s32 @!p0 s3, s7;
	s7 =	simm.s32 @!p0 $0x108  }
0x21: {  	s3 =	sadd.s32 s3, s9;
	s6 =	sadd.s32 @!p0 $0x88, s6;
	s7 =	simm.s32 @p2 $0x1082  }
0x22: {  	[simem:s7], [sflag:s8] =	dma.local @!p0 [hbm:s6], $0xF7A  }
0x23: {  	s9 =	sor.u32 $0xD0000000, s2;
	s6 =	simm.s32 $0x108;
	_ =	swait.ge @!p0 [sflag:s8], $0x0  }
0x24: {  	s3 =	sadd.s32 $0x88, s3;
	s6 =	simm.s32 @!p1 $0x1082;
	[sflag:s4] =	ssyncset.s32 $0xFFFFF086  }
0x25: {  	[simem:s6], [sflag:s4] =	dma.local [hbm:s3], $0xF7A  }
0x26: {  	[smem:$0x3F96] =	sst s1;
	(tag) =	ssettag s2;
	_ =	strace s9  }
0x27: {  	s1 =	sld [smem:$0x3FA6]  }
0x28: {  	s2 =	sld [smem:$0x3FA7]  }
0x29: {  	s4 =	sld [smem:$0x3FA9]  }
0x2a: {  	p0 =	seq.s32 s5, $0x0;
	s5 =	sld [smem:$0x3FAA]  }
0x2b: {  	s6 =	sld [smem:$0x3FAB]  }
0x2c: {  	s7 =	sld [smem:$0x3FAC]  }
0x2d: {  	s3 =	simm.s32 $0x108;
	s8 =	sld [smem:$0x3FAD]  }
0x2e: {  	s3 =	simm.s32 @!p0 $0x1082;
	s9 =	sld [smem:$0x3FAE]  }
0x2f: {  	lr =	sadd.s32 s0, s3;
	s0 =	sld [smem:$0x3FA5]  }
0x30: {  	s3 =	sld [smem:$0x3FA8]  }
0x31: {  	[smem:$0x3FB1] =	sst s10  }
0x32: {  	s10 =	sld [smem:$0x3FAF];
	_ =	sdelay $0x3  }
0x33: {  	p0 =	seq.s32 s10, $0x1;
	s10 =	sld [smem:$0x3FB1];
	_ =	sdelay $0x3  }
0x34: {  	[smem:$0x3FB1] =	sst s10  }
0x35: {  	s10 =	sld [smem:$0x3FB0];
	_ =	sdelay $0x3  }
0x36: {  	p1 =	seq.s32 s10, $0x1;
	s10 =	sld [smem:$0x3FB1];
	_ =	sdelay $0x3  }
0x37: {  	[smem:$0x3FB1] =	sst s10  }
0x38: {  	s10 =	sld [smem:$0x3FB2]  }
0x39: {  	_ = 	snop;
	(pc) =	sbr.ind lr, $3  }
0x3a: {  	_ = 	snop  }
0x3b: {  	_ = 	snop  }
0x3c: {  	p2 =	seq.s32 s10, $0x1;
	s10 =	sld [smem:$0x3FB1]  }
0x3d: {  	_ =	shalt  }
0x3e: {  	_ =	shalt  }
0x3f: {  	_ =	shalt  }
0x40: {  	_ =	shalt  }
0x41: {  	_ =	shalt  }
0x42: {  	_ =	shalt  }
0x43: {  	_ =	shalt  }
0x44: {  	_ =	shalt  }
0x45: {  	_ =	shalt  }
0x46: {  	_ =	shalt  }
0x47: {  	_ =	shalt  }
0x48: {  	_ =	shalt  }
0x49: {  	_ =	shalt  }
0x4a: {  	_ =	shalt  }
0x4b: {  	_ =	shalt  }
0x4c: {  	_ =	shalt  }
0x4d: {  	_ =	shalt  }
0x4e: {  	_ =	shalt  }
0x4f: {  	_ =	shalt  }
0x50: {  	_ =	shalt  }
0x51: {  	_ =	shalt  }
0x52: {  	_ =	shalt  }
0x53: {  	_ =	shalt  }
0x54: {  	_ =	shalt  }
0x55: {  	_ =	shalt  }
0x56: {  	_ =	shalt  }
0x57: {  	_ =	shalt  }
0x58: {  	_ =	shalt  }
0x59: {  	_ =	shalt  }
0x5a: {  	_ =	shalt  }
0x5b: {  	_ =	shalt  }
0x5c: {  	_ =	shalt  }
0x5d: {  	_ =	shalt  }
0x5e: {  	_ =	shalt  }
0x5f: {  	_ =	shalt  }
0x60: {  	_ =	shalt  }
0x61: {  	_ =	shalt  }
0x62: {  	_ =	shalt  }
0x63: {  	_ =	shalt  }
0x64: {  	_ =	shalt  }
0x65: {  	_ =	shalt  }
0x66: {  	_ =	shalt  }
0x67: {  	_ =	shalt  }
0x68: {  	_ =	shalt  }
0x69: {  	_ =	shalt  }
0x6a: {  	_ =	shalt  }
0x6b: {  	_ =	shalt  }
0x6c: {  	_ =	shalt  }
0x6d: {  	_ =	shalt  }
0x6e: {  	_ =	shalt  }
0x6f: {  	_ =	shalt  }
0x70: {  	_ =	shalt  }
0x71: {  	_ =	shalt  }
0x72: {  	_ =	shalt  }
0x73: {  	_ =	shalt  }
0x74: {  	_ =	shalt  }
0x75: {  	_ =	shalt  }
0x76: {  	_ =	shalt  }
0x77: {  	_ =	shalt  }
0x78: {  	_ =	shalt  }
0x79: {  	_ =	shalt  }
0x7a: {  	_ =	shalt  }
0x7b: {  	_ =	shalt  }
0x7c: {  	_ =	shalt  }
0x7d: {  	_ =	shalt  }
0x7e: {  	_ =	shalt  }
0x7f: {  	_ =	shalt  }
0x80: {  	_ =	shalt  }
0x81: {  	_ =	shalt  }
0x82: {  	_ =	shalt  }
0x83: {  	_ =	shalt  }
0x84: {  	_ =	shalt  }
0x85: {  	_ =	shalt  }
0x86: {  	_ =	shalt  }
0x87: {  	_ =	shalt  }
.Lfunc_end0:
.L_simem_size_0:
called_computation.3_lowered:
.L_overlay_start_0:
0x88: {  	s2 =	sld [smem:$0x3FD9]  }
0x89: {  	s3 =	sld [smem:$0x3FFE];
	_ =	sdelay $0x1  }
0x8a: {  	s1 =	srdreg.scid  }
0x8b: {  	s0 =	sand.u32 $0x1, s1  }
0x8c: {  	s16 =	sshll.u32 s0, $0xA;
	s2 =	sadd.s32 s3, s2  }
0x8d: {  	s2 =	sadd.s32 s2, s16  }
0x8e: {  	[smem:$0x3FBD] =	sst s2  }
0x8f: {  	_ = 	snop  }
0x90: {  	(tm) =	ssettm $0x1  }
0x91: {  	s17 =	sld [smem:$0x3FFB];
	_ =	sdelay $0x3  }
0x92: {  	_ =	strace s17  }
0x93: {  	s2 =	sld [smem:$0x3FFC];
	_ =	sdelay $0x3  }
0x94: {  	_ =	strace s2  }
0x95: {  	s2 =	sld [smem:$0x3FFD];
	_ =	sdelay $0x3  }
0x96: {  	_ =	strace s2  }
0x97: {  	_ =	strace $0x8FFFFFFF  }
0x98: {  	s18 =	sld [smem:$0x3FDB];
	_ =	sdelay $0x1  }
0x99: {  	s19 =	simm.s32 $_scs_section_size  }
0x9a: {  	s4 =	simm.s32 $_size__tile_overlayer_lowered;
	s5 =	simm.s32 $_tile_overlayer_lowered  }
0x9b: {  	s22 =	simm.s32 $0x1BFF;
	s21 =	sshll.u32 s5, $0x1;
	s2 =	sadd.s32 s19, s18  }
0x9c: {  	s6 =	simm.s32 $0x0;
	s20 =	sshll.u32 s4, $0x1;
	s4 =	sadd.s32 s21, s2  }
0x9d: {  	[timem:s6], [sflag:s22] =	dma.local [hbm:s4], s20  }
0x9e: {  	_ =	swait.ge [sflag:s22], s20  }
0x9f: {  	s3 =	ssub.s32 $0x0, s20;
	[sflag:s22] =	ssyncset.done $0x0  }
0xa0: {  	[sflag:s22] =	ssyncadd.s32 s3;
	_ =	sdelay $0x1  }
0xa1: {  	s23 =	simm.s32 $0x1B8B  }
0xa2: {  	_ =	swait.ge [sflag:s23], $0x1  }
0xa3: {  	[sflag:s23] =	ssyncset.done $0x0  }
0xa4: {  	s25 =	simm.s32 $0x1B8E;
	s24 =	sld [smem:$0x3FFE];
	[sflag:s23] =	ssyncadd.s32 $0xFFFFFFFF  }
0xa5: {  	s26 =	simm.s32 $execute0_lowered;
	[smem:$0x3FD2] =	sst s25  }
0xa6: {  	s4 =	sshll.u32 s26, $0x1;
	_ =	strace $0x8000004F;
	[dreg:$0x1] =	wrdreg $0xFFFFFFFF  }
0xa7: {  	s28 =	simm.s32 $_size_execute0_lowered;
	s2 =	sadd.s32 s2, s4;
	[dreg:$0x0] =	wrdreg $0x0  }
0xa8: {  	s4 =	sshll.u32 s28, $0x1;
	[dreg:$0x2] =	wrdreg s2  }
0xa9: {  	[dreg:$0x3] =	wrdreg s4  }
0xaa: {  	[dreg:$0x4] =	wrdreg $0xC0  }
0xab: {  	_ =	task [dreg:s6], $0x5FFFF  }
0xac: {  	[dreg:$0x1] =	wrdreg $0xFFFFFFFF  }
0xad: {  	[dreg:$0x0] =	wrdreg $0x60  }
0xae: {  	[dreg:$0x2] =	wrdreg s24  }
0xaf: {  	[dreg:$0x3] =	wrdreg $0x90000  }
0xb0: {  	[dreg:$0x4] =	wrdreg $0x9  }
0xb1: {  	_ =	task.clear_ibuf [dreg:s6], $0x5FFFF;
	_ =	strace $0x9000004F  }
0xb2: {  	s29 =	simm.s32 $0x9;
	_ =	strace $0x80000051  }
0xb3: {  	_ =	swait.ge [sflag:s29], $0x1  }
0xb4: {  	[sflag:s29] =	ssyncadd.s32 $0xFFFFFFFF  }
0xb5: {  	_ =	strace $0x90000051  }
0xb6: {  	_ =	sfence  }
0xb7: {  	s30 =	sld [smem:$0x0];
	_ =	sdelay $0x2  }
0xb8: {  	s31 =	sshll.u32 s1, $0xD;
	s1 =	sshrl.u32 s1, $0x2  }
0xb9: {  	s3 =	sand.u32 $0x4000, s31;
	s1 =	sadd.s32 s1, s30  }
0xba: {  	s0 =	sor.u32 s3, s0;
	s1 =	sshll.u32 s1, $0x11  }
0xbb: {  	s0 =	sor.u32 s1, s0  }
0xbc: {  	s0 =	sadd.s32 $0x8F2B, s0  }
0xbd: {  	[sflag:s0] =	ssyncadd.remote.s32 $0x1  }
0xbe: {  	_ =	sfence.sel $0xFFFF  }
0xbf: {  	[dreg:$0x0] =	wrdreg $0xFFFFFFFF;
	(pc) =	sbr.abs _section_cstart, $3  }
0xc0: {  	[dreg:$0x1] =	wrdreg $0xFFFFFFFF  }
0xc1: {  	_ =	task.clear_ibuf [dreg:s6], $0x2FFFF;
	_ =	strace $0x9FFFFFFF  }
0xc2: {  	(tm) =	ssettm $0x7FFFFFFF  }
0xc3: {  	_ =	shalt  }
tec
execute0_lowered:
.L_overlay_start_1:
0x0: {  	(tag) =	ssettag $0x1  }
0x1: {  	s1 =	srdreg.scid;
	s5 =	rddreg [dreg:$0x0]  }
0x2: {  	s0 =	stileid.u32;
	s2 =	rddreg [dreg:$0x1];
	s3 =	simm.s32 $0x0  }
0x3: {  	s14 =	simm.s32 $0x80;
	s15 =	simm.s32 $0x5000;
	s16 =	simm.s32 $0x1  }
0x4: {  	s17 =	simm.s32 $0x0;
	s6 =	sand.u32 $0x1, s1;
	s1 =	rddreg [dreg:$0x2]  }
0x5: {  	s26 =	sshll.u32 s0, $0x1;
	[smem:$0x7FF] =	sst s3;
	s8 =	smul.u32 $0x13C00, s0  }
0x6: {  	s29 =	smul.u32 $0x4F000, s0;
	s31 =	sshll.u32 s0, $0x6;
	s4 =	sor.u32 s6, s26  }
0x7: {  	_ =	strace $0x80000050;
	s9 =	smul.u32 $0x13C000, s6;
	s6 =	ssub.s32 $0x2, s6  }
0x8: {  	s7 =	smul.u32 $0x500, s4;
	s4 =	sadd.s32 $0xD200, s5;
	s28 =	sshrl.u32 s8, $0x3  }
0x9: {  	s11 =	sshrl.u32 s6, $0x1;
	s30 =	sshrl.u32 s29, $0x2;
	s8 =	sadd.s32 s8, s9  }
0xa: {  	s11 =	ssub.s32 s6, s11;
	s13 =	sadd.s32 s30, s2;
	s6 =	sor.u32 $0x1C02, s31  }
0xb: {  	s10 =	sadd.s32 s7, s5;
	s7 =	sadd.s32 s28, s5;
	s8 =	sshrl.u32 s8, $0x3  }
0xc: {  	s12 =	sadd.s32 s8, s5;
	s5 =	sadd.s32 $0x34400, s7;
	s7 =	sadd.s32 $0x83A00, s10  }
0xd: {  	s8 =	sadd.s32 $0x3200, s10;
	s10 =	smax.u32 s11, $0x1;
	s11 =	sshrl.u32 s13, $0x3  }
0xe: {  	s13 =	simm.s32 $0x2800;
	s9 =	sadd.s32 $0x8DA00, s12;
	s12 =	simm.s32 $0x2  }
.LBB2_1:
0xf: {  	[spmem:s11], [sflag:s6] =	dma.local [hbm:s5], $0x2780  }
0x10: {  	_ =	swait.ge [sflag:s12], $0x2780  }
0x11: {  	[sflag:s12] =	ssyncset.done $0x0  }
0x12: {  	[sflag:s12] =	ssyncadd.s32 $0xFFFFD880  }
0x13: {  	[tilespmem:s3], [sflag:$0x2] =	stream.linear.gather [hbm4b:s7+s3], $0x2800, $0x38;
	[tilespmem:$0x1CC00] =	vst v63  }
0x14: {  	_ =	swait.ge [sflag:s12], $0x2800  }
0x15: {  	[sflag:s12] =	ssyncset.done $0x0  }
0x16: {  	[sflag:s12] =	ssyncadd.s32 $0xFFFFD800  }
0x17: {  	[tilespmem:s13], [sflag:$0x2] =	stream.linear.gather [hbm4b:s8+s3], $0x2800, $0x38;
	[tilespmem:$0x1CC00] =	vst v63  }
0x18: {  	_ =	swait.ge [sflag:s12], $0x2800  }
0x19: {  	[sflag:s12] =	ssyncset.done $0x0  }
0x1a: {  	[sflag:s12] =	ssyncadd.s32 $0xFFFFD800  }
0x1b: {  	s18 =	simm.s32 $0x0;
	[bflag:$0x0] =	sbarrier.arrive $0xFFFF  }
0x1c: {  	[tilespmem:s15], [sflag:$0x1] =	stream.indirect.gather [hbm4b:s4+s14], $0x80, s18, s14, $0xb8;
	[tilespmem:$0x1CC00] =	vst v63  }
0x1d: {  	_ =	swait.ge [sflag:s16], $0x4000  }
0x1e: {  	[sflag:s16] =	ssyncset.done $0x0  }
0x1f: {  	s31 =	simm.s32 $0x2800;
	[sflag:s16] =	ssyncadd.s32 $0xFFFFC000  }
0x20: {  	[spmem:s2] =	stream.indirect.scatter.add.f32 [tilespmem:s15], [sflag:$0x2], $0x80, s31, s14, $0xb8;
	[tilespmem:$0x1CC00] =	vst v63  }
0x21: {  	_ =	swait.ge [sflag:s12], $0x4000  }
0x22: {  	s19 =	simm.s32 $0x400;
	s18 =	simm.s32 $0x200;
	[sflag:s12] =	ssyncset.done $0x0  }
.LBB2_2:
0x23: {  	s20 =	sshra.s32 s18, $0x2  }
0x24: {  	[sflag:s12] =	ssyncadd.s32 $0xFFFFC000;
	s18 =	smov.u32 s19;
	s21 =	sadd.s32 $0x200, s19  }
0x25: {  	[tilespmem:s15], [sflag:$0x1] =	stream.indirect.gather [hbm4b:s4+s14], $0x80, s20, s14, $0xb8;
	[tilespmem:$0x1CC00] =	vst v63  }
0x26: {  	p0 =	sne.s32 s19, $0x9E00;
	_ =	swait.ge [sflag:s16], $0x4000  }
.Ltmp0:
0x27: {  	[sflag:s16] =	ssyncset.done $0x0;
	(pc) =	sbr.rel @p0 .LBB2_2-.Ltmp0, $4  }
0x28: {  	s19 =	sadd.s32 $0x2800, s20;
	[sflag:s16] =	ssyncadd.s32 $0xFFFFC000  }
0x29: {  	[spmem:s2] =	stream.indirect.scatter.add.f32 [tilespmem:s15], [sflag:$0x2], $0x80, s19, s14, $0xb8;
	[tilespmem:$0x1CC00] =	vst v63  }
0x2a: {  	_ =	swait.ge [sflag:s12], $0x4000  }
0x2b: {  	s19 =	smov.u32 s21;
	[sflag:s12] =	ssyncset.done $0x0  }
0x2c: {  	s18 =	sshra.s32 s18, $0x2;
	[sflag:s12] =	ssyncadd.s32 $0xFFFFC000  }
0x2d: {  	[tilespmem:s15], [sflag:$0x1] =	stream.indirect.gather [hbm4b:s4+s14], $0x80, s18, s14, $0xb8;
	[tilespmem:$0x1CC00] =	vst v63  }
0x2e: {  	_ =	swait.ge [sflag:s16], $0x4000  }
0x2f: {  	[sflag:s16] =	ssyncset.done $0x0  }
0x30: {  	s18 =	sadd.s32 $0x2800, s18;
	[sflag:s16] =	ssyncadd.s32 $0xFFFFC000  }
0x31: {  	[spmem:s2] =	stream.indirect.scatter.add.f32 [tilespmem:s15], [sflag:$0x2], $0x80, s18, s14, $0xb8;
	[tilespmem:$0x1CC00] =	vst v63  }
0x32: {  	_ =	swait.ge [sflag:s12], $0x4000  }
0x33: {  	s17 =	sadd.s32 $0x1, s17;
	[sflag:s12] =	ssyncset.done $0x0  }
0x34: {  	p0 =	sne.s32 s17, s10;
	[sflag:s12] =	ssyncadd.s32 $0xFFFFC000  }
.Ltmp1:
0x35: {  	[bflag:$0x0] =	sbarrier.arrive $0xFFFF;
	(pc) =	sbr.rel @p0 .LBB2_1-.Ltmp1, $4  }
0x36: {  	[hbm:s9], [sflag:s6] =	dma.local [spmem:s11], $0x2780  }
0x37: {  	_ =	swait.ge [sflag:s12], $0x2780  }
0x38: {  	[sflag:s12] =	ssyncset.done $0x0  }
0x39: {  	[sflag:s12] =	ssyncadd.s32 $0xFFFFD880  }
0x3a: {  	_ =	sfence.sel $0x180000  }
0x3b: {  	[bflag:$0x0] =	sbarrier.arrive $0xFFFF  }
0x3c: {  	p0 =	sne.s32 s0, $0x0;
	_ =	strace $0x90000050  }
0x3d: {  	s0 =	sadd.s32 @!p0 $0x100000, s1;
	[bflag:$0x2] =	sbarrier.arrive $0xFFFF  }
0x3e: {  	[sflag:s0] =	ssyncadd.tile.s32 @!p0 $0x1;
	_ =	shalt  }
.Lfunc_end2:
_tile_overlayer_lowered:
.L_overlay_start_2:
0x3f: {  	(tag) =	ssettag $0x2  }
0x40: {  	s0 =	rddreg [dreg:$0x0];
	s2 =	stileid.u32  }
0x41: {  	s1 =	rddreg [dreg:$0x1];
	p0 =	sne.s32 s2, $0x0  }
0x42: {  	s3 =	rddreg [dreg:$0x2];
	[bflag:$0x3] =	sbarrier.arrive $0xFFFF;
	s2 =	simm.s32 @!p0 $0x1C02  }
0x43: {  	[timem:s3], [sflag:s2] =	dma.local @!p0 [hbm:s0], s1  }
0x44: {  	s0 =	simm.s32 @!p0 $0x2  }
0x45: {  	_ =	swait.ge @!p0 [sflag:s0], s1  }
0x46: {  	s1 =	ssub.s32 @!p0 $0x0, s1;
	[sflag:s0] =	ssyncset.done @!p0 $0x0  }
0x47: {  	[sflag:s0] =	ssyncadd.s32 @!p0 s1  }
0x48: {  	[bflag:$0x3] =	sbarrier.arrive $0xFFFF  }
0x49: {  	_ =	shalt  }

</sc_bundles>
